<compile_context>
chip_gen: v7x
topology: tpu7x:2x2x1
jax: 0.10.2.dev20260603
libtpu: 0.0.44.dev20260713+nightly
codegen_flags: <defaults>
</compile_context>

<pallas_src>
import jax
import jax.numpy as jnp
from jax.experimental import pallas as pl
from jax.experimental.pallas import tpu as pltpu

_TOPK = 8
_S, _B, _C, _D = 2048, 4, 64, 1024
_SC = 512
_NCHUNK = _S // _SC


def _eighth_largest(s):
    neg_inf = jnp.float32(-jnp.inf)
    shp = (s.shape[0], 1, s.shape[2])
    thr = jnp.full(shp, jnp.inf, jnp.float32)
    ans = jnp.full(shp, -jnp.inf, jnp.float32)
    k = jnp.full(shp, _TOPK, jnp.int32)
    done = jnp.zeros(shp, jnp.bool_)
    for _ in range(_TOPK):
        cand = jnp.where(s < thr, s, neg_inf)
        m = jnp.max(cand, axis=1, keepdims=True)
        c = jnp.sum((s == m).astype(jnp.int32), axis=1, keepdims=True)
        newly = jnp.logical_and(jnp.logical_not(done), k <= c)
        ans = jnp.where(newly, m, ans)
        cont = jnp.logical_not(jnp.logical_or(done, newly))
        k = jnp.where(cont, k - c, k)
        thr = jnp.where(cont, m, thr)
        done = jnp.logical_or(done, newly)
    return ans


def _fused(sim_ref, x_ref, pad_ref, pl_ref, out_ref, m_ref, den_ref):
    j = pl.program_id(0)
    neg_inf = jnp.float32(-jnp.inf)
    s2d = sim_ref[...]
    st = jnp.transpose(s2d)
    s = st.reshape(_B, _C, _SC)
    pad = pad_ref[...]
    s = jnp.where(pad[:, None, :] > 0, neg_inf, s)
    s = jnp.where(s > 0, s, neg_inf)
    t = _eighth_largest(s)
    masked = jnp.where(s >= t, s, neg_inf)
    keep = (masked > 0).astype(jnp.float32)
    pl_ref[...] = jnp.transpose(keep.reshape(_B * _C, _SC))
    m_chunk = jnp.maximum(jnp.max(masked, axis=2), 0.0)

    @pl.when(j == 0)
    def _init():
        m_ref[...] = jnp.zeros((_B, _C), jnp.float32)
        den_ref[...] = jnp.zeros((_B, _C), jnp.float32)
        out_ref[...] = jnp.zeros((_C, _B * _D), jnp.float32)

    m_old = m_ref[...]
    m_new = jnp.maximum(m_old, m_chunk)
    scale = jnp.exp(m_old - m_new)
    p = jnp.exp(masked - m_new[:, :, None])
    den_ref[...] = den_ref[...] * scale + jnp.sum(p, axis=2)
    m_ref[...] = m_new
    x2 = x_ref[...]
    for b in range(_B):
        part = jax.lax.dot(
            p[b], x2[:, b * _D:(b + 1) * _D],
            precision=jax.lax.Precision.HIGHEST,
            preferred_element_type=jnp.float32)
        out_ref[:, b * _D:(b + 1) * _D] = (
            out_ref[:, b * _D:(b + 1) * _D] * scale[b][:, None] + part)

    @pl.when(j == _NCHUNK - 1)
    def _fin():
        den = den_ref[...]
        inv = jnp.where(den > 0, 1.0 / den, 0.0)
        for b in range(_B):
            out_ref[:, b * _D:(b + 1) * _D] = (
                out_ref[:, b * _D:(b + 1) * _D] * inv[b][:, None])


def kernel(x, token_concept_embedding, key_padding_mask):
    sim2 = token_concept_embedding.reshape(_S, _B * _C)
    x2 = x.reshape(_S, _B * _D)
    padf = key_padding_mask.astype(jnp.float32)
    pl2, out = pl.pallas_call(
        _fused,
        grid=(_NCHUNK,),
        in_specs=[
            pl.BlockSpec((_SC, _B * _C), lambda j: (j, 0)),
            pl.BlockSpec((_SC, _B * _D), lambda j: (j, 0)),
            pl.BlockSpec((_B, _SC), lambda j: (0, j)),
        ],
        out_specs=[
            pl.BlockSpec((_SC, _B * _C), lambda j: (j, 0)),
            pl.BlockSpec((_C, _B * _D), lambda j: (0, 0)),
        ],
        out_shape=[
            jax.ShapeDtypeStruct((_S, _B * _C), jnp.float32),
            jax.ShapeDtypeStruct((_C, _B * _D), jnp.float32),
        ],
        scratch_shapes=[
            pltpu.VMEM((_B, _C), jnp.float32),
            pltpu.VMEM((_B, _C), jnp.float32),
        ],
        compiler_params=pltpu.CompilerParams(
            dimension_semantics=("arbitrary",),
        ),
    )(sim2, x2, padf)
    merge_val = out.reshape(_C, _B, _D)
    pseudo_label = pl2.reshape(_S, _B, _C)
    return merge_val, pseudo_label

# --- scband reference (transcript-rebuilt; emitter-appended) ---
"""Pipeline reference for scband-localized-token-aggregation-8126078124233 (READ-ONLY COPY).

The authoritative reference and input builder live on the scoring server;
editing this copy changes nothing except your own understanding.
"""

import jax, jax.numpy as jnp
import numpy as np

TOP_K = 8

def _forward(x, token_concept_embedding, key_padding_mask, top_k):
    # sim: [S, B, C]
    sim = jax.lax.stop_gradient(token_concept_embedding)
    # key_padding_mask: [B, S] -> [S, B, C]
    key_pad = jnp.where(key_padding_mask, -jnp.inf, 0.0)  # [B, S]
    key_pad = jnp.broadcast_to(key_pad[:, None, :], (key_padding_mask.shape[0], sim.shape[2], key_padding_mask.shape[1]))  # [B, C, S]
    key_pad = jnp.transpose(key_pad, (2, 0, 1))  # [S, B, C]
    sim = sim + key_pad
    neg_inf = jnp.full_like(sim, -jnp.inf)
    sim = jnp.where(sim > 0, sim, neg_inf)
    # my_top_k over last dim (concepts)
    val, _ = jax.lax.top_k(sim, top_k)              # [S, B, top_k]
    val_min = jnp.min(val, axis=-1, keepdims=True)  # [S, B, 1]
    ge = sim >= val_min
    sim = jnp.where(ge, sim, neg_inf)
    pseudo_label = jnp.where(sim > 0, jnp.ones_like(sim), jnp.zeros_like(sim))
    # softmax over sequence dim (dim 0)
    smax = jax.nn.softmax(sim, axis=0)
    smax = jnp.where(jnp.isnan(smax), jnp.zeros_like(smax), smax)
    # bmm: [B, C, S] x [B, S, D] -> [B, C, D] -> [C, B, D]
    merge_val = jnp.einsum('bcs,bsd->cbd', jnp.transpose(smax, (1, 2, 0)), jnp.transpose(x, (1, 0, 2)))
    return merge_val, pseudo_label

def setup_inputs(seed: int = 0) -> dict:
    key = jax.random.key(seed)
    k1, k2 = jax.random.split(key)
    x = jax.random.normal(k1, (2048, 4, 1024), dtype=jnp.float32)
    token_concept_embedding = jax.random.normal(k2, (2048, 4, 64), dtype=jnp.float32)
    key_padding_mask = jnp.zeros((4, 2048), dtype=bool)
    return {"x": x, "token_concept_embedding": token_concept_embedding, "key_padding_mask": key_padding_mask}

def reference(x, token_concept_embedding, key_padding_mask):
    return _forward(x, token_concept_embedding, key_padding_mask, TOP_K)

if __name__ == "__main__":
    import jax
    _d = setup_inputs()
    print(jax.jit(kernel)(*tuple(_d.values())))

</pallas_src>

<mosaic_0001>
module attributes {stable_mosaic.version = 14 : i64} {
  func.func @_fused(%arg0: i32, %arg1: memref<512x256xf32, #tpu.memory_space<vmem>>, %arg2: memref<512x4096xf32, #tpu.memory_space<vmem>>, %arg3: memref<4x512xf32, #tpu.memory_space<vmem>>, %arg4: memref<512x256xf32, #tpu.memory_space<vmem>>, %arg5: memref<64x4096xf32, #tpu.memory_space<vmem>>, %arg6: memref<4x64xf32, #tpu.memory_space<vmem>>, %arg7: memref<4x64xf32, #tpu.memory_space<vmem>>) attributes {dimension_semantics = [#tpu.dimension_semantics<arbitrary>], iteration_bounds = array<i64: 4>, scalar_prefetch = 0 : i64, scratch_operands = 2 : i64, tpu.core_type = #tpu.core_type<tc>, window_params = [{transform_indices = @transform_0, window_bounds = array<i64: 512, 256>}, {transform_indices = @transform_1, window_bounds = array<i64: 512, 4096>}, {transform_indices = @transform_2, window_bounds = array<i64: 4, 512>}, {transform_indices = @transform_3, window_bounds = array<i64: 512, 256>}, {pipeline_mode = #tpu.pipeline_mode<synchronous>, transform_indices = @transform_4, window_bounds = array<i64: 64, 4096>}]} {
    %get3A = arith.constant 0 : index
    %get3A_0 = arith.constant 0 : index
    %get3A_1 = vector.load %arg1[%get3A, %get3A_0] : memref<512x256xf32, #tpu.memory_space<vmem>>, vector<512x256xf32>
    %transpose3A = tpu.transpose %get3A_1, [1, 0] : vector<512x256xf32> -> vector<256x512xf32>
    %reshape3A = vector.shape_cast %transpose3A : vector<256x512xf32> to vector<4x64x512xf32>
    %get3A_2 = arith.constant 0 : index
    %get3A_3 = arith.constant 0 : index
    %get3A_4 = vector.load %arg3[%get3A_2, %get3A_3] : memref<4x512xf32, #tpu.memory_space<vmem>>, vector<4x512xf32>
    %broadcast_in_dim3A = vector.shape_cast %get3A_4 : vector<4x512xf32> to vector<4x1x512xf32>
    %gt3A = arith.constant 0.000000e+00 : f32
    %gt3A_5 = vector.broadcast %gt3A : f32 to vector<4x1x512xf32>
    %gt3A_6 = arith.cmpf ogt, %broadcast_in_dim3A, %gt3A_5 : vector<4x1x512xf32>
    %jit3A = arith.constant 0xFF800000 : f32
    %broadcast_in_dim3A_7 = vector.shape_cast %gt3A_6 : vector<4x1x512xi1> to vector<4x1x512xi1>
    %broadcast_in_dim3A_8 = vector.broadcast %broadcast_in_dim3A_7 : vector<4x1x512xi1> to vector<4x64x512xi1>
    %broadcast_in_dim3A_9 = vector.broadcast %jit3A : f32 to vector<4x64x512xf32>
    %select_n3A = arith.select %broadcast_in_dim3A_8, %broadcast_in_dim3A_9, %reshape3A : vector<4x64x512xi1>, vector<4x64x512xf32>
    %gt3A_10 = arith.constant 0.000000e+00 : f32
    %gt3A_11 = vector.broadcast %gt3A_10 : f32 to vector<4x64x512xf32>
    %gt3A_12 = arith.cmpf ogt, %select_n3A, %gt3A_11 : vector<4x64x512xf32>
    %jit3A_13 = arith.constant 0xFF800000 : f32
    %broadcast_in_dim3A_14 = vector.broadcast %jit3A_13 : f32 to vector<4x64x512xf32>
    %select_n3A_15 = arith.select %gt3A_12, %select_n3A, %broadcast_in_dim3A_14 : vector<4x64x512xi1>, vector<4x64x512xf32>
    %broadcast_in_dim3A_16 = arith.constant 0x7F800000 : f32
    %broadcast_in_dim3A_17 = vector.broadcast %broadcast_in_dim3A_16 : f32 to vector<4x1x512xf32>
    %broadcast_in_dim3A_18 = arith.constant 0xFF800000 : f32
    %broadcast_in_dim3A_19 = vector.broadcast %broadcast_in_dim3A_18 : f32 to vector<4x1x512xf32>
    %broadcast_in_dim3A_20 = arith.constant 8 : i32
    %broadcast_in_dim3A_21 = vector.broadcast %broadcast_in_dim3A_20 : i32 to vector<4x1x512xi32>
    %broadcast_in_dim3A_22 = arith.constant false
    %broadcast_in_dim3A_23 = vector.broadcast %broadcast_in_dim3A_22 : i1 to vector<4x1x512xi1>
    %lt3A = vector.broadcast %broadcast_in_dim3A_17 : vector<4x1x512xf32> to vector<4x64x512xf32>
    %lt3A_24 = arith.cmpf olt, %select_n3A_15, %lt3A : vector<4x64x512xf32>
    %jit3A_25 = arith.constant 0xFF800000 : f32
    %broadcast_in_dim3A_26 = vector.broadcast %jit3A_25 : f32 to vector<4x64x512xf32>
    %select_n3A_27 = arith.select %lt3A_24, %select_n3A_15, %broadcast_in_dim3A_26 : vector<4x64x512xi1>, vector<4x64x512xf32>
    %reduce_max3A = arith.constant dense<0xFF800000> : vector<4x512xf32>
    %reduce_max3A_28 = vector.multi_reduction <maximumf>, %select_n3A_27, %reduce_max3A [1] : vector<4x64x512xf32> to vector<4x512xf32>
    %broadcast_in_dim3A_29 = vector.shape_cast %reduce_max3A_28 : vector<4x512xf32> to vector<4x1x512xf32>
    %eq3A = vector.broadcast %broadcast_in_dim3A_29 : vector<4x1x512xf32> to vector<4x64x512xf32>
    %eq3A_30 = arith.cmpf oeq, %select_n3A_15, %eq3A : vector<4x64x512xf32>
    %convert_element_type3A = arith.extui %eq3A_30 : vector<4x64x512xi1> to vector<4x64x512xi32>
    %reduce_sum3A = arith.constant dense<0> : vector<4x512xi32>
    %reduce_sum3A_31 = vector.multi_reduction <add>, %convert_element_type3A, %reduce_sum3A [1] : vector<4x64x512xi32> to vector<4x512xi32>
    %broadcast_in_dim3A_32 = vector.shape_cast %reduce_sum3A_31 : vector<4x512xi32> to vector<4x1x512xi32>
    %not3A = arith.constant dense<true> : vector<4x1x512xi1>
    %not3A_33 = arith.xori %broadcast_in_dim3A_23, %not3A : vector<4x1x512xi1>
    %le3A = arith.cmpi sle, %broadcast_in_dim3A_21, %broadcast_in_dim3A_32 : vector<4x1x512xi32>
    %and3A = arith.andi %not3A_33, %le3A : vector<4x1x512xi1>
    %select_n3A_34 = arith.select %and3A, %broadcast_in_dim3A_29, %broadcast_in_dim3A_19 : vector<4x1x512xi1>, vector<4x1x512xf32>
    %or3A = arith.ori %broadcast_in_dim3A_23, %and3A : vector<4x1x512xi1>
    %not3A_35 = arith.constant dense<true> : vector<4x1x512xi1>
    %not3A_36 = arith.xori %or3A, %not3A_35 : vector<4x1x512xi1>
    %sub3A = arith.subi %broadcast_in_dim3A_21, %broadcast_in_dim3A_32 : vector<4x1x512xi32>
    %select_n3A_37 = arith.select %not3A_36, %sub3A, %broadcast_in_dim3A_21 : vector<4x1x512xi1>, vector<4x1x512xi32>
    %select_n3A_38 = arith.select %not3A_36, %broadcast_in_dim3A_29, %broadcast_in_dim3A_17 : vector<4x1x512xi1>, vector<4x1x512xf32>
    %or3A_39 = arith.ori %broadcast_in_dim3A_23, %and3A : vector<4x1x512xi1>
    %lt3A_40 = vector.broadcast %select_n3A_38 : vector<4x1x512xf32> to vector<4x64x512xf32>
    %lt3A_41 = arith.cmpf olt, %select_n3A_15, %lt3A_40 : vector<4x64x512xf32>
    %jit3A_42 = arith.constant 0xFF800000 : f32
    %broadcast_in_dim3A_43 = vector.broadcast %jit3A_42 : f32 to vector<4x64x512xf32>
    %select_n3A_44 = arith.select %lt3A_41, %select_n3A_15, %broadcast_in_dim3A_43 : vector<4x64x512xi1>, vector<4x64x512xf32>
    %reduce_max3A_45 = arith.constant dense<0xFF800000> : vector<4x512xf32>
    %reduce_max3A_46 = vector.multi_reduction <maximumf>, %select_n3A_44, %reduce_max3A_45 [1] : vector<4x64x512xf32> to vector<4x512xf32>
    %broadcast_in_dim3A_47 = vector.shape_cast %reduce_max3A_46 : vector<4x512xf32> to vector<4x1x512xf32>
    %eq3A_48 = vector.broadcast %broadcast_in_dim3A_47 : vector<4x1x512xf32> to vector<4x64x512xf32>
    %eq3A_49 = arith.cmpf oeq, %select_n3A_15, %eq3A_48 : vector<4x64x512xf32>
    %convert_element_type3A_50 = arith.extui %eq3A_49 : vector<4x64x512xi1> to vector<4x64x512xi32>
    %reduce_sum3A_51 = arith.constant dense<0> : vector<4x512xi32>
    %reduce_sum3A_52 = vector.multi_reduction <add>, %convert_element_type3A_50, %reduce_sum3A_51 [1] : vector<4x64x512xi32> to vector<4x512xi32>
    %broadcast_in_dim3A_53 = vector.shape_cast %reduce_sum3A_52 : vector<4x512xi32> to vector<4x1x512xi32>
    %not3A_54 = arith.constant dense<true> : vector<4x1x512xi1>
    %not3A_55 = arith.xori %or3A_39, %not3A_54 : vector<4x1x512xi1>
    %le3A_56 = arith.cmpi sle, %select_n3A_37, %broadcast_in_dim3A_53 : vector<4x1x512xi32>
    %and3A_57 = arith.andi %not3A_55, %le3A_56 : vector<4x1x512xi1>
    %select_n3A_58 = arith.select %and3A_57, %broadcast_in_dim3A_47, %select_n3A_34 : vector<4x1x512xi1>, vector<4x1x512xf32>
    %or3A_59 = arith.ori %or3A_39, %and3A_57 : vector<4x1x512xi1>
    %not3A_60 = arith.constant dense<true> : vector<4x1x512xi1>
    %not3A_61 = arith.xori %or3A_59, %not3A_60 : vector<4x1x512xi1>
    %sub3A_62 = arith.subi %select_n3A_37, %broadcast_in_dim3A_53 : vector<4x1x512xi32>
    %select_n3A_63 = arith.select %not3A_61, %sub3A_62, %select_n3A_37 : vector<4x1x512xi1>, vector<4x1x512xi32>
    %select_n3A_64 = arith.select %not3A_61, %broadcast_in_dim3A_47, %select_n3A_38 : vector<4x1x512xi1>, vector<4x1x512xf32>
    %or3A_65 = arith.ori %or3A_39, %and3A_57 : vector<4x1x512xi1>
    %lt3A_66 = vector.broadcast %select_n3A_64 : vector<4x1x512xf32> to vector<4x64x512xf32>
    %lt3A_67 = arith.cmpf olt, %select_n3A_15, %lt3A_66 : vector<4x64x512xf32>
    %jit3A_68 = arith.constant 0xFF800000 : f32
    %broadcast_in_dim3A_69 = vector.broadcast %jit3A_68 : f32 to vector<4x64x512xf32>
    %select_n3A_70 = arith.select %lt3A_67, %select_n3A_15, %broadcast_in_dim3A_69 : vector<4x64x512xi1>, vector<4x64x512xf32>
    %reduce_max3A_71 = arith.constant dense<0xFF800000> : vector<4x512xf32>
    %reduce_max3A_72 = vector.multi_reduction <maximumf>, %select_n3A_70, %reduce_max3A_71 [1] : vector<4x64x512xf32> to vector<4x512xf32>
    %broadcast_in_dim3A_73 = vector.shape_cast %reduce_max3A_72 : vector<4x512xf32> to vector<4x1x512xf32>
    %eq3A_74 = vector.broadcast %broadcast_in_dim3A_73 : vector<4x1x512xf32> to vector<4x64x512xf32>
    %eq3A_75 = arith.cmpf oeq, %select_n3A_15, %eq3A_74 : vector<4x64x512xf32>
    %convert_element_type3A_76 = arith.extui %eq3A_75 : vector<4x64x512xi1> to vector<4x64x512xi32>
    %reduce_sum3A_77 = arith.constant dense<0> : vector<4x512xi32>
    %reduce_sum3A_78 = vector.multi_reduction <add>, %convert_element_type3A_76, %reduce_sum3A_77 [1] : vector<4x64x512xi32> to vector<4x512xi32>
    %broadcast_in_dim3A_79 = vector.shape_cast %reduce_sum3A_78 : vector<4x512xi32> to vector<4x1x512xi32>
    %not3A_80 = arith.constant dense<true> : vector<4x1x512xi1>
    %not3A_81 = arith.xori %or3A_65, %not3A_80 : vector<4x1x512xi1>
    %le3A_82 = arith.cmpi sle, %select_n3A_63, %broadcast_in_dim3A_79 : vector<4x1x512xi32>
    %and3A_83 = arith.andi %not3A_81, %le3A_82 : vector<4x1x512xi1>
    %select_n3A_84 = arith.select %and3A_83, %broadcast_in_dim3A_73, %select_n3A_58 : vector<4x1x512xi1>, vector<4x1x512xf32>
    %or3A_85 = arith.ori %or3A_65, %and3A_83 : vector<4x1x512xi1>
    %not3A_86 = arith.constant dense<true> : vector<4x1x512xi1>
    %not3A_87 = arith.xori %or3A_85, %not3A_86 : vector<4x1x512xi1>
    %sub3A_88 = arith.subi %select_n3A_63, %broadcast_in_dim3A_79 : vector<4x1x512xi32>
    %select_n3A_89 = arith.select %not3A_87, %sub3A_88, %select_n3A_63 : vector<4x1x512xi1>, vector<4x1x512xi32>
    %select_n3A_90 = arith.select %not3A_87, %broadcast_in_dim3A_73, %select_n3A_64 : vector<4x1x512xi1>, vector<4x1x512xf32>
    %or3A_91 = arith.ori %or3A_65, %and3A_83 : vector<4x1x512xi1>
    %lt3A_92 = vector.broadcast %select_n3A_90 : vector<4x1x512xf32> to vector<4x64x512xf32>
    %lt3A_93 = arith.cmpf olt, %select_n3A_15, %lt3A_92 : vector<4x64x512xf32>
    %jit3A_94 = arith.constant 0xFF800000 : f32
    %broadcast_in_dim3A_95 = vector.broadcast %jit3A_94 : f32 to vector<4x64x512xf32>
    %select_n3A_96 = arith.select %lt3A_93, %select_n3A_15, %broadcast_in_dim3A_95 : vector<4x64x512xi1>, vector<4x64x512xf32>
    %reduce_max3A_97 = arith.constant dense<0xFF800000> : vector<4x512xf32>
    %reduce_max3A_98 = vector.multi_reduction <maximumf>, %select_n3A_96, %reduce_max3A_97 [1] : vector<4x64x512xf32> to vector<4x512xf32>
    %broadcast_in_dim3A_99 = vector.shape_cast %reduce_max3A_98 : vector<4x512xf32> to vector<4x1x512xf32>
    %eq3A_100 = vector.broadcast %broadcast_in_dim3A_99 : vector<4x1x512xf32> to vector<4x64x512xf32>
    %eq3A_101 = arith.cmpf oeq, %select_n3A_15, %eq3A_100 : vector<4x64x512xf32>
    %convert_element_type3A_102 = arith.extui %eq3A_101 : vector<4x64x512xi1> to vector<4x64x512xi32>
    %reduce_sum3A_103 = arith.constant dense<0> : vector<4x512xi32>
    %reduce_sum3A_104 = vector.multi_reduction <add>, %convert_element_type3A_102, %reduce_sum3A_103 [1] : vector<4x64x512xi32> to vector<4x512xi32>
    %broadcast_in_dim3A_105 = vector.shape_cast %reduce_sum3A_104 : vector<4x512xi32> to vector<4x1x512xi32>
    %not3A_106 = arith.constant dense<true> : vector<4x1x512xi1>
    %not3A_107 = arith.xori %or3A_91, %not3A_106 : vector<4x1x512xi1>
    %le3A_108 = arith.cmpi sle, %select_n3A_89, %broadcast_in_dim3A_105 : vector<4x1x512xi32>
    %and3A_109 = arith.andi %not3A_107, %le3A_108 : vector<4x1x512xi1>
    %select_n3A_110 = arith.select %and3A_109, %broadcast_in_dim3A_99, %select_n3A_84 : vector<4x1x512xi1>, vector<4x1x512xf32>
    %or3A_111 = arith.ori %or3A_91, %and3A_109 : vector<4x1x512xi1>
    %not3A_112 = arith.constant dense<true> : vector<4x1x512xi1>
    %not3A_113 = arith.xori %or3A_111, %not3A_112 : vector<4x1x512xi1>
    %sub3A_114 = arith.subi %select_n3A_89, %broadcast_in_dim3A_105 : vector<4x1x512xi32>
    %select_n3A_115 = arith.select %not3A_113, %sub3A_114, %select_n3A_89 : vector<4x1x512xi1>, vector<4x1x512xi32>
    %select_n3A_116 = arith.select %not3A_113, %broadcast_in_dim3A_99, %select_n3A_90 : vector<4x1x512xi1>, vector<4x1x512xf32>
    %or3A_117 = arith.ori %or3A_91, %and3A_109 : vector<4x1x512xi1>
    %lt3A_118 = vector.broadcast %select_n3A_116 : vector<4x1x512xf32> to vector<4x64x512xf32>
    %lt3A_119 = arith.cmpf olt, %select_n3A_15, %lt3A_118 : vector<4x64x512xf32>
    %jit3A_120 = arith.constant 0xFF800000 : f32
    %broadcast_in_dim3A_121 = vector.broadcast %jit3A_120 : f32 to vector<4x64x512xf32>
    %select_n3A_122 = arith.select %lt3A_119, %select_n3A_15, %broadcast_in_dim3A_121 : vector<4x64x512xi1>, vector<4x64x512xf32>
    %reduce_max3A_123 = arith.constant dense<0xFF800000> : vector<4x512xf32>
    %reduce_max3A_124 = vector.multi_reduction <maximumf>, %select_n3A_122, %reduce_max3A_123 [1] : vector<4x64x512xf32> to vector<4x512xf32>
    %broadcast_in_dim3A_125 = vector.shape_cast %reduce_max3A_124 : vector<4x512xf32> to vector<4x1x512xf32>
    %eq3A_126 = vector.broadcast %broadcast_in_dim3A_125 : vector<4x1x512xf32> to vector<4x64x512xf32>
    %eq3A_127 = arith.cmpf oeq, %select_n3A_15, %eq3A_126 : vector<4x64x512xf32>
    %convert_element_type3A_128 = arith.extui %eq3A_127 : vector<4x64x512xi1> to vector<4x64x512xi32>
    %reduce_sum3A_129 = arith.constant dense<0> : vector<4x512xi32>
    %reduce_sum3A_130 = vector.multi_reduction <add>, %convert_element_type3A_128, %reduce_sum3A_129 [1] : vector<4x64x512xi32> to vector<4x512xi32>
    %broadcast_in_dim3A_131 = vector.shape_cast %reduce_sum3A_130 : vector<4x512xi32> to vector<4x1x512xi32>
    %not3A_132 = arith.constant dense<true> : vector<4x1x512xi1>
    %not3A_133 = arith.xori %or3A_117, %not3A_132 : vector<4x1x512xi1>
    %le3A_134 = arith.cmpi sle, %select_n3A_115, %broadcast_in_dim3A_131 : vector<4x1x512xi32>
    %and3A_135 = arith.andi %not3A_133, %le3A_134 : vector<4x1x512xi1>
    %select_n3A_136 = arith.select %and3A_135, %broadcast_in_dim3A_125, %select_n3A_110 : vector<4x1x512xi1>, vector<4x1x512xf32>
    %or3A_137 = arith.ori %or3A_117, %and3A_135 : vector<4x1x512xi1>
    %not3A_138 = arith.constant dense<true> : vector<4x1x512xi1>
    %not3A_139 = arith.xori %or3A_137, %not3A_138 : vector<4x1x512xi1>
    %sub3A_140 = arith.subi %select_n3A_115, %broadcast_in_dim3A_131 : vector<4x1x512xi32>
    %select_n3A_141 = arith.select %not3A_139, %sub3A_140, %select_n3A_115 : vector<4x1x512xi1>, vector<4x1x512xi32>
    %select_n3A_142 = arith.select %not3A_139, %broadcast_in_dim3A_125, %select_n3A_116 : vector<4x1x512xi1>, vector<4x1x512xf32>
    %or3A_143 = arith.ori %or3A_117, %and3A_135 : vector<4x1x512xi1>
    %lt3A_144 = vector.broadcast %select_n3A_142 : vector<4x1x512xf32> to vector<4x64x512xf32>
    %lt3A_145 = arith.cmpf olt, %select_n3A_15, %lt3A_144 : vector<4x64x512xf32>
    %jit3A_146 = arith.constant 0xFF800000 : f32
    %broadcast_in_dim3A_147 = vector.broadcast %jit3A_146 : f32 to vector<4x64x512xf32>
    %select_n3A_148 = arith.select %lt3A_145, %select_n3A_15, %broadcast_in_dim3A_147 : vector<4x64x512xi1>, vector<4x64x512xf32>
    %reduce_max3A_149 = arith.constant dense<0xFF800000> : vector<4x512xf32>
    %reduce_max3A_150 = vector.multi_reduction <maximumf>, %select_n3A_148, %reduce_max3A_149 [1] : vector<4x64x512xf32> to vector<4x512xf32>
    %broadcast_in_dim3A_151 = vector.shape_cast %reduce_max3A_150 : vector<4x512xf32> to vector<4x1x512xf32>
    %eq3A_152 = vector.broadcast %broadcast_in_dim3A_151 : vector<4x1x512xf32> to vector<4x64x512xf32>
    %eq3A_153 = arith.cmpf oeq, %select_n3A_15, %eq3A_152 : vector<4x64x512xf32>
    %convert_element_type3A_154 = arith.extui %eq3A_153 : vector<4x64x512xi1> to vector<4x64x512xi32>
    %reduce_sum3A_155 = arith.constant dense<0> : vector<4x512xi32>
    %reduce_sum3A_156 = vector.multi_reduction <add>, %convert_element_type3A_154, %reduce_sum3A_155 [1] : vector<4x64x512xi32> to vector<4x512xi32>
    %broadcast_in_dim3A_157 = vector.shape_cast %reduce_sum3A_156 : vector<4x512xi32> to vector<4x1x512xi32>
    %not3A_158 = arith.constant dense<true> : vector<4x1x512xi1>
    %not3A_159 = arith.xori %or3A_143, %not3A_158 : vector<4x1x512xi1>
    %le3A_160 = arith.cmpi sle, %select_n3A_141, %broadcast_in_dim3A_157 : vector<4x1x512xi32>
    %and3A_161 = arith.andi %not3A_159, %le3A_160 : vector<4x1x512xi1>
    %select_n3A_162 = arith.select %and3A_161, %broadcast_in_dim3A_151, %select_n3A_136 : vector<4x1x512xi1>, vector<4x1x512xf32>
    %or3A_163 = arith.ori %or3A_143, %and3A_161 : vector<4x1x512xi1>
    %not3A_164 = arith.constant dense<true> : vector<4x1x512xi1>
    %not3A_165 = arith.xori %or3A_163, %not3A_164 : vector<4x1x512xi1>
    %sub3A_166 = arith.subi %select_n3A_141, %broadcast_in_dim3A_157 : vector<4x1x512xi32>
    %select_n3A_167 = arith.select %not3A_165, %sub3A_166, %select_n3A_141 : vector<4x1x512xi1>, vector<4x1x512xi32>
    %select_n3A_168 = arith.select %not3A_165, %broadcast_in_dim3A_151, %select_n3A_142 : vector<4x1x512xi1>, vector<4x1x512xf32>
    %or3A_169 = arith.ori %or3A_143, %and3A_161 : vector<4x1x512xi1>
    %lt3A_170 = vector.broadcast %select_n3A_168 : vector<4x1x512xf32> to vector<4x64x512xf32>
    %lt3A_171 = arith.cmpf olt, %select_n3A_15, %lt3A_170 : vector<4x64x512xf32>
    %jit3A_172 = arith.constant 0xFF800000 : f32
    %broadcast_in_dim3A_173 = vector.broadcast %jit3A_172 : f32 to vector<4x64x512xf32>
    %select_n3A_174 = arith.select %lt3A_171, %select_n3A_15, %broadcast_in_dim3A_173 : vector<4x64x512xi1>, vector<4x64x512xf32>
    %reduce_max3A_175 = arith.constant dense<0xFF800000> : vector<4x512xf32>
    %reduce_max3A_176 = vector.multi_reduction <maximumf>, %select_n3A_174, %reduce_max3A_175 [1] : vector<4x64x512xf32> to vector<4x512xf32>
    %broadcast_in_dim3A_177 = vector.shape_cast %reduce_max3A_176 : vector<4x512xf32> to vector<4x1x512xf32>
    %eq3A_178 = vector.broadcast %broadcast_in_dim3A_177 : vector<4x1x512xf32> to vector<4x64x512xf32>
    %eq3A_179 = arith.cmpf oeq, %select_n3A_15, %eq3A_178 : vector<4x64x512xf32>
    %convert_element_type3A_180 = arith.extui %eq3A_179 : vector<4x64x512xi1> to vector<4x64x512xi32>
    %reduce_sum3A_181 = arith.constant dense<0> : vector<4x512xi32>
    %reduce_sum3A_182 = vector.multi_reduction <add>, %convert_element_type3A_180, %reduce_sum3A_181 [1] : vector<4x64x512xi32> to vector<4x512xi32>
    %broadcast_in_dim3A_183 = vector.shape_cast %reduce_sum3A_182 : vector<4x512xi32> to vector<4x1x512xi32>
    %not3A_184 = arith.constant dense<true> : vector<4x1x512xi1>
    %not3A_185 = arith.xori %or3A_169, %not3A_184 : vector<4x1x512xi1>
    %le3A_186 = arith.cmpi sle, %select_n3A_167, %broadcast_in_dim3A_183 : vector<4x1x512xi32>
    %and3A_187 = arith.andi %not3A_185, %le3A_186 : vector<4x1x512xi1>
    %select_n3A_188 = arith.select %and3A_187, %broadcast_in_dim3A_177, %select_n3A_162 : vector<4x1x512xi1>, vector<4x1x512xf32>
    %or3A_189 = arith.ori %or3A_169, %and3A_187 : vector<4x1x512xi1>
    %not3A_190 = arith.constant dense<true> : vector<4x1x512xi1>
    %not3A_191 = arith.xori %or3A_189, %not3A_190 : vector<4x1x512xi1>
    %sub3A_192 = arith.subi %select_n3A_167, %broadcast_in_dim3A_183 : vector<4x1x512xi32>
    %select_n3A_193 = arith.select %not3A_191, %sub3A_192, %select_n3A_167 : vector<4x1x512xi1>, vector<4x1x512xi32>
    %select_n3A_194 = arith.select %not3A_191, %broadcast_in_dim3A_177, %select_n3A_168 : vector<4x1x512xi1>, vector<4x1x512xf32>
    %or3A_195 = arith.ori %or3A_169, %and3A_187 : vector<4x1x512xi1>
    %lt3A_196 = vector.broadcast %select_n3A_194 : vector<4x1x512xf32> to vector<4x64x512xf32>
    %lt3A_197 = arith.cmpf olt, %select_n3A_15, %lt3A_196 : vector<4x64x512xf32>
    %jit3A_198 = arith.constant 0xFF800000 : f32
    %broadcast_in_dim3A_199 = vector.broadcast %jit3A_198 : f32 to vector<4x64x512xf32>
    %select_n3A_200 = arith.select %lt3A_197, %select_n3A_15, %broadcast_in_dim3A_199 : vector<4x64x512xi1>, vector<4x64x512xf32>
    %reduce_max3A_201 = arith.constant dense<0xFF800000> : vector<4x512xf32>
    %reduce_max3A_202 = vector.multi_reduction <maximumf>, %select_n3A_200, %reduce_max3A_201 [1] : vector<4x64x512xf32> to vector<4x512xf32>
    %broadcast_in_dim3A_203 = vector.shape_cast %reduce_max3A_202 : vector<4x512xf32> to vector<4x1x512xf32>
    %eq3A_204 = vector.broadcast %broadcast_in_dim3A_203 : vector<4x1x512xf32> to vector<4x64x512xf32>
    %eq3A_205 = arith.cmpf oeq, %select_n3A_15, %eq3A_204 : vector<4x64x512xf32>
    %convert_element_type3A_206 = arith.extui %eq3A_205 : vector<4x64x512xi1> to vector<4x64x512xi32>
    %reduce_sum3A_207 = arith.constant dense<0> : vector<4x512xi32>
    %reduce_sum3A_208 = vector.multi_reduction <add>, %convert_element_type3A_206, %reduce_sum3A_207 [1] : vector<4x64x512xi32> to vector<4x512xi32>
    %broadcast_in_dim3A_209 = vector.shape_cast %reduce_sum3A_208 : vector<4x512xi32> to vector<4x1x512xi32>
    %not3A_210 = arith.constant dense<true> : vector<4x1x512xi1>
    %not3A_211 = arith.xori %or3A_195, %not3A_210 : vector<4x1x512xi1>
    %le3A_212 = arith.cmpi sle, %select_n3A_193, %broadcast_in_dim3A_209 : vector<4x1x512xi32>
    %and3A_213 = arith.andi %not3A_211, %le3A_212 : vector<4x1x512xi1>
    %select_n3A_214 = arith.select %and3A_213, %broadcast_in_dim3A_203, %select_n3A_188 : vector<4x1x512xi1>, vector<4x1x512xf32>
    %ge3A = vector.broadcast %select_n3A_214 : vector<4x1x512xf32> to vector<4x64x512xf32>
    %ge3A_215 = arith.cmpf oge, %select_n3A_15, %ge3A : vector<4x64x512xf32>
    %jit3A_216 = arith.constant 0xFF800000 : f32
    %broadcast_in_dim3A_217 = vector.broadcast %jit3A_216 : f32 to vector<4x64x512xf32>
    %select_n3A_218 = arith.select %ge3A_215, %select_n3A_15, %broadcast_in_dim3A_217 : vector<4x64x512xi1>, vector<4x64x512xf32>
    %gt3A_219 = arith.constant 0.000000e+00 : f32
    %gt3A_220 = vector.broadcast %gt3A_219 : f32 to vector<4x64x512xf32>
    %gt3A_221 = arith.cmpf ogt, %select_n3A_218, %gt3A_220 : vector<4x64x512xf32>
    %convert_element_type3A_222 = arith.extui %gt3A_221 : vector<4x64x512xi1> to vector<4x64x512xi32>
    %convert_element_type3A_223 = arith.sitofp %convert_element_type3A_222 : vector<4x64x512xi32> to vector<4x64x512xf32>
    %reshape3A_224 = vector.shape_cast %convert_element_type3A_223 : vector<4x64x512xf32> to vector<256x512xf32>
    %transpose3A_225 = tpu.transpose %reshape3A_224, [1, 0] : vector<256x512xf32> -> vector<512x256xf32>
    %swap3A = arith.constant 0 : index
    %swap3A_226 = arith.constant 0 : index
    %swap3A_227 = vector.load %arg4[%swap3A, %swap3A_226] : memref<512x256xf32, #tpu.memory_space<vmem>>, vector<512x256xf32>
    tpu.vector_store %arg4[%swap3A, %swap3A_226], %transpose3A_225 {strides = array<i32>} : memref<512x256xf32, #tpu.memory_space<vmem>>, vector<512x256xf32>,
    %reduce_max3A_228 = arith.constant dense<0xFF800000> : vector<4x64xf32>
    %reduce_max3A_229 = vector.multi_reduction <maximumf>, %select_n3A_218, %reduce_max3A_228 [2] : vector<4x64x512xf32> to vector<4x64xf32>
    %max3A = arith.constant 0.000000e+00 : f32
    %max3A_230 = vector.broadcast %max3A : f32 to vector<4x64xf32>
    %max3A_231 = arith.maximumf %reduce_max3A_229, %max3A_230 : vector<4x64xf32>
    %eq3A_232 = arith.constant 0 : i32
    %eq3A_233 = arith.cmpi eq, %arg0, %eq3A_232 : i32
    %convert_element_type3A_234 = arith.extui %eq3A_233 : i1 to i32
    %cond3A = arith.constant 0 : i32
    %cond3A_235 = arith.cmpi ne, %convert_element_type3A_234, %cond3A : i32
    scf.if %cond3A_235 {
      %broadcast_in_dim3A_329 = arith.constant 0.000000e+00 : f32
      %broadcast_in_dim3A_330 = vector.broadcast %broadcast_in_dim3A_329 : f32 to vector<4x64xf32>
      %swap3A_331 = arith.constant 0 : index
      %swap3A_332 = arith.constant 0 : index
      %swap3A_333 = vector.load %arg6[%swap3A_331, %swap3A_332] : memref<4x64xf32, #tpu.memory_space<vmem>>, vector<4x64xf32>
      tpu.vector_store %arg6[%swap3A_331, %swap3A_332], %broadcast_in_dim3A_330 {strides = array<i32>} : memref<4x64xf32, #tpu.memory_space<vmem>>, vector<4x64xf32>,
      %broadcast_in_dim3A_334 = arith.constant 0.000000e+00 : f32
      %broadcast_in_dim3A_335 = vector.broadcast %broadcast_in_dim3A_334 : f32 to vector<4x64xf32>
      %swap3A_336 = arith.constant 0 : index
      %swap3A_337 = arith.constant 0 : index
      %swap3A_338 = vector.load %arg7[%swap3A_336, %swap3A_337] : memref<4x64xf32, #tpu.memory_space<vmem>>, vector<4x64xf32>
      tpu.vector_store %arg7[%swap3A_336, %swap3A_337], %broadcast_in_dim3A_335 {strides = array<i32>} : memref<4x64xf32, #tpu.memory_space<vmem>>, vector<4x64xf32>,
      %broadcast_in_dim3A_339 = arith.constant 0.000000e+00 : f32
      %broadcast_in_dim3A_340 = vector.broadcast %broadcast_in_dim3A_339 : f32 to vector<64x4096xf32>
      %swap3A_341 = arith.constant 0 : index
      %swap3A_342 = arith.constant 0 : index
      %swap3A_343 = vector.load %arg5[%swap3A_341, %swap3A_342] : memref<64x4096xf32, #tpu.memory_space<vmem>>, vector<64x4096xf32>
      tpu.vector_store %arg5[%swap3A_341, %swap3A_342], %broadcast_in_dim3A_340 {strides = array<i32>} : memref<64x4096xf32, #tpu.memory_space<vmem>>, vector<64x4096xf32>,
    } else {
    }
    %get3A_236 = arith.constant 0 : index
    %get3A_237 = arith.constant 0 : index
    %get3A_238 = vector.load %arg6[%get3A_236, %get3A_237] : memref<4x64xf32, #tpu.memory_space<vmem>>, vector<4x64xf32>
    %max3A_239 = arith.maximumf %get3A_238, %max3A_231 : vector<4x64xf32>
    %sub3A_240 = arith.subf %get3A_238, %max3A_239 : vector<4x64xf32>
    %exp3A = math.exp %sub3A_240 : vector<4x64xf32>
    %broadcast_in_dim3A_241 = vector.shape_cast %max3A_239 : vector<4x64xf32> to vector<4x64x1xf32>
    %sub3A_242 = vector.broadcast %broadcast_in_dim3A_241 : vector<4x64x1xf32> to vector<4x64x512xf32>
    %sub3A_243 = arith.subf %select_n3A_218, %sub3A_242 : vector<4x64x512xf32>
    %exp3A_244 = math.exp %sub3A_243 : vector<4x64x512xf32>
    %get3A_245 = arith.constant 0 : index
    %get3A_246 = arith.constant 0 : index
    %get3A_247 = vector.load %arg7[%get3A_245, %get3A_246] : memref<4x64xf32, #tpu.memory_space<vmem>>, vector<4x64xf32>
    %mul3A = arith.mulf %get3A_247, %exp3A : vector<4x64xf32>
    %reduce_sum3A_248 = arith.constant dense<0.000000e+00> : vector<4x64xf32>
    %reduce_sum3A_249 = vector.multi_reduction <add>, %exp3A_244, %reduce_sum3A_248 [2] : vector<4x64x512xf32> to vector<4x64xf32>
    %add3A = arith.addf %mul3A, %reduce_sum3A_249 : vector<4x64xf32>
    %swap3A_250 = arith.constant 0 : index
    %swap3A_251 = arith.constant 0 : index
    %swap3A_252 = vector.load %arg7[%swap3A_250, %swap3A_251] : memref<4x64xf32, #tpu.memory_space<vmem>>, vector<4x64xf32>
    tpu.vector_store %arg7[%swap3A_250, %swap3A_251], %add3A {strides = array<i32>} : memref<4x64xf32, #tpu.memory_space<vmem>>, vector<4x64xf32>,
    %swap3A_253 = arith.constant 0 : index
    %swap3A_254 = arith.constant 0 : index
    %swap3A_255 = vector.load %arg6[%swap3A_253, %swap3A_254] : memref<4x64xf32, #tpu.memory_space<vmem>>, vector<4x64xf32>
    tpu.vector_store %arg6[%swap3A_253, %swap3A_254], %max3A_239 {strides = array<i32>} : memref<4x64xf32, #tpu.memory_space<vmem>>, vector<4x64xf32>,
    %get3A_256 = arith.constant 0 : index
    %get3A_257 = arith.constant 0 : index
    %get3A_258 = vector.load %arg2[%get3A_256, %get3A_257] : memref<512x4096xf32, #tpu.memory_space<vmem>>, vector<512x4096xf32>
    %slice3A = vector.extract_strided_slice %exp3A_244 {offsets = [0, 0, 0], sizes = [1, 64, 512], strides = [1, 1, 1]} : vector<4x64x512xf32> to vector<1x64x512xf32>
    %squeeze3A = vector.shape_cast %slice3A : vector<1x64x512xf32> to vector<64x512xf32>
    %slice3A_259 = vector.extract_strided_slice %get3A_258 {offsets = [0, 0], sizes = [512, 1024], strides = [1, 1]} : vector<512x4096xf32> to vector<512x1024xf32>
    %dot_general3A = arith.constant dense<0.000000e+00> : vector<64x1024xf32>
    %dot_general3A_260 = tpu.matmul %squeeze3A, %slice3A_259, %dot_general3A {dimension_numbers = #tpu.dot_dimension_numbers<[1], [0], [0], [1], [0, 0, 1, 1], [], []>, precision = #tpu.contract_precision<fp32>, transpose_lhs_hint = false} : vector<64x512xf32>, vector<512x1024xf32>, vector<64x1024xf32> -> vector<64x1024xf32>
    %get3A_261 = arith.constant 0 : index
    %get3A_262 = arith.constant 0 : index
    %get3A_263 = vector.load %arg5[%get3A_261, %get3A_262] : memref<64x4096xf32, #tpu.memory_space<vmem>>, vector<64x1024xf32>
    %slice3A_264 = vector.extract_strided_slice %exp3A {offsets = [0, 0], sizes = [1, 64], strides = [1, 1]} : vector<4x64xf32> to vector<1x64xf32>
    %squeeze3A_265 = vector.shape_cast %slice3A_264 : vector<1x64xf32> to vector<64xf32>
    %broadcast_in_dim3A_266 = vector.shape_cast %squeeze3A_265 : vector<64xf32> to vector<64x1xf32>
    %mul3A_267 = vector.broadcast %broadcast_in_dim3A_266 : vector<64x1xf32> to vector<64x1024xf32>
    %mul3A_268 = arith.mulf %get3A_263, %mul3A_267 : vector<64x1024xf32>
    %add3A_269 = arith.addf %mul3A_268, %dot_general3A_260 : vector<64x1024xf32>
    %swap3A_270 = arith.constant 0 : index
    %swap3A_271 = arith.constant 0 : index
    %swap3A_272 = vector.load %arg5[%swap3A_270, %swap3A_271] : memref<64x4096xf32, #tpu.memory_space<vmem>>, vector<64x1024xf32>
    tpu.vector_store %arg5[%swap3A_270, %swap3A_271], %add3A_269 {strides = array<i32>} : memref<64x4096xf32, #tpu.memory_space<vmem>>, vector<64x1024xf32>,
    %slice3A_273 = vector.extract_strided_slice %exp3A_244 {offsets = [1, 0, 0], sizes = [1, 64, 512], strides = [1, 1, 1]} : vector<4x64x512xf32> to vector<1x64x512xf32>
    %squeeze3A_274 = vector.shape_cast %slice3A_273 : vector<1x64x512xf32> to vector<64x512xf32>
    %slice3A_275 = vector.extract_strided_slice %get3A_258 {offsets = [0, 1024], sizes = [512, 1024], strides = [1, 1]} : vector<512x4096xf32> to vector<512x1024xf32>
    %dot_general3A_276 = arith.constant dense<0.000000e+00> : vector<64x1024xf32>
    %dot_general3A_277 = tpu.matmul %squeeze3A_274, %slice3A_275, %dot_general3A_276 {dimension_numbers = #tpu.dot_dimension_numbers<[1], [0], [0], [1], [0, 0, 1, 1], [], []>, precision = #tpu.contract_precision<fp32>, transpose_lhs_hint = false} : vector<64x512xf32>, vector<512x1024xf32>, vector<64x1024xf32> -> vector<64x1024xf32>
    %get3A_278 = arith.constant 0 : index
    %get3A_279 = arith.constant 1024 : index
    %get3A_280 = vector.load %arg5[%get3A_278, %get3A_279] : memref<64x4096xf32, #tpu.memory_space<vmem>>, vector<64x1024xf32>
    %slice3A_281 = vector.extract_strided_slice %exp3A {offsets = [1, 0], sizes = [1, 64], strides = [1, 1]} : vector<4x64xf32> to vector<1x64xf32>
    %squeeze3A_282 = vector.shape_cast %slice3A_281 : vector<1x64xf32> to vector<64xf32>
    %broadcast_in_dim3A_283 = vector.shape_cast %squeeze3A_282 : vector<64xf32> to vector<64x1xf32>
    %mul3A_284 = vector.broadcast %broadcast_in_dim3A_283 : vector<64x1xf32> to vector<64x1024xf32>
    %mul3A_285 = arith.mulf %get3A_280, %mul3A_284 : vector<64x1024xf32>
    %add3A_286 = arith.addf %mul3A_285, %dot_general3A_277 : vector<64x1024xf32>
    %swap3A_287 = arith.constant 0 : index
    %swap3A_288 = arith.constant 1024 : index
    %swap3A_289 = vector.load %arg5[%swap3A_287, %swap3A_288] : memref<64x4096xf32, #tpu.memory_space<vmem>>, vector<64x1024xf32>
    tpu.vector_store %arg5[%swap3A_287, %swap3A_288], %add3A_286 {strides = array<i32>} : memref<64x4096xf32, #tpu.memory_space<vmem>>, vector<64x1024xf32>,
    %slice3A_290 = vector.extract_strided_slice %exp3A_244 {offsets = [2, 0, 0], sizes = [1, 64, 512], strides = [1, 1, 1]} : vector<4x64x512xf32> to vector<1x64x512xf32>
    %squeeze3A_291 = vector.shape_cast %slice3A_290 : vector<1x64x512xf32> to vector<64x512xf32>
    %slice3A_292 = vector.extract_strided_slice %get3A_258 {offsets = [0, 2048], sizes = [512, 1024], strides = [1, 1]} : vector<512x4096xf32> to vector<512x1024xf32>
    %dot_general3A_293 = arith.constant dense<0.000000e+00> : vector<64x1024xf32>
    %dot_general3A_294 = tpu.matmul %squeeze3A_291, %slice3A_292, %dot_general3A_293 {dimension_numbers = #tpu.dot_dimension_numbers<[1], [0], [0], [1], [0, 0, 1, 1], [], []>, precision = #tpu.contract_precision<fp32>, transpose_lhs_hint = false} : vector<64x512xf32>, vector<512x1024xf32>, vector<64x1024xf32> -> vector<64x1024xf32>
    %get3A_295 = arith.constant 0 : index
    %get3A_296 = arith.constant 2048 : index
    %get3A_297 = vector.load %arg5[%get3A_295, %get3A_296] : memref<64x4096xf32, #tpu.memory_space<vmem>>, vector<64x1024xf32>
    %slice3A_298 = vector.extract_strided_slice %exp3A {offsets = [2, 0], sizes = [1, 64], strides = [1, 1]} : vector<4x64xf32> to vector<1x64xf32>
    %squeeze3A_299 = vector.shape_cast %slice3A_298 : vector<1x64xf32> to vector<64xf32>
    %broadcast_in_dim3A_300 = vector.shape_cast %squeeze3A_299 : vector<64xf32> to vector<64x1xf32>
    %mul3A_301 = vector.broadcast %broadcast_in_dim3A_300 : vector<64x1xf32> to vector<64x1024xf32>
    %mul3A_302 = arith.mulf %get3A_297, %mul3A_301 : vector<64x1024xf32>
    %add3A_303 = arith.addf %mul3A_302, %dot_general3A_294 : vector<64x1024xf32>
    %swap3A_304 = arith.constant 0 : index
    %swap3A_305 = arith.constant 2048 : index
    %swap3A_306 = vector.load %arg5[%swap3A_304, %swap3A_305] : memref<64x4096xf32, #tpu.memory_space<vmem>>, vector<64x1024xf32>
    tpu.vector_store %arg5[%swap3A_304, %swap3A_305], %add3A_303 {strides = array<i32>} : memref<64x4096xf32, #tpu.memory_space<vmem>>, vector<64x1024xf32>,
    %slice3A_307 = vector.extract_strided_slice %exp3A_244 {offsets = [3, 0, 0], sizes = [1, 64, 512], strides = [1, 1, 1]} : vector<4x64x512xf32> to vector<1x64x512xf32>
    %squeeze3A_308 = vector.shape_cast %slice3A_307 : vector<1x64x512xf32> to vector<64x512xf32>
    %slice3A_309 = vector.extract_strided_slice %get3A_258 {offsets = [0, 3072], sizes = [512, 1024], strides = [1, 1]} : vector<512x4096xf32> to vector<512x1024xf32>
    %dot_general3A_310 = arith.constant dense<0.000000e+00> : vector<64x1024xf32>
    %dot_general3A_311 = tpu.matmul %squeeze3A_308, %slice3A_309, %dot_general3A_310 {dimension_numbers = #tpu.dot_dimension_numbers<[1], [0], [0], [1], [0, 0, 1, 1], [], []>, precision = #tpu.contract_precision<fp32>, transpose_lhs_hint = false} : vector<64x512xf32>, vector<512x1024xf32>, vector<64x1024xf32> -> vector<64x1024xf32>
    %get3A_312 = arith.constant 0 : index
    %get3A_313 = arith.constant 3072 : index
    %get3A_314 = vector.load %arg5[%get3A_312, %get3A_313] : memref<64x4096xf32, #tpu.memory_space<vmem>>, vector<64x1024xf32>
    %slice3A_315 = vector.extract_strided_slice %exp3A {offsets = [3, 0], sizes = [1, 64], strides = [1, 1]} : vector<4x64xf32> to vector<1x64xf32>
    %squeeze3A_316 = vector.shape_cast %slice3A_315 : vector<1x64xf32> to vector<64xf32>
    %broadcast_in_dim3A_317 = vector.shape_cast %squeeze3A_316 : vector<64xf32> to vector<64x1xf32>
    %mul3A_318 = vector.broadcast %broadcast_in_dim3A_317 : vector<64x1xf32> to vector<64x1024xf32>
    %mul3A_319 = arith.mulf %get3A_314, %mul3A_318 : vector<64x1024xf32>
    %add3A_320 = arith.addf %mul3A_319, %dot_general3A_311 : vector<64x1024xf32>
    %swap3A_321 = arith.constant 0 : index
    %swap3A_322 = arith.constant 3072 : index
    %swap3A_323 = vector.load %arg5[%swap3A_321, %swap3A_322] : memref<64x4096xf32, #tpu.memory_space<vmem>>, vector<64x1024xf32>
    tpu.vector_store %arg5[%swap3A_321, %swap3A_322], %add3A_320 {strides = array<i32>} : memref<64x4096xf32, #tpu.memory_space<vmem>>, vector<64x1024xf32>,
    %eq3A_324 = arith.constant 3 : i32
    %eq3A_325 = arith.cmpi eq, %arg0, %eq3A_324 : i32
    %convert_element_type3A_326 = arith.extui %eq3A_325 : i1 to i32
    %cond3A_327 = arith.constant 0 : i32
    %cond3A_328 = arith.cmpi ne, %convert_element_type3A_326, %cond3A_327 : i32
    scf.if %cond3A_328 {
      %get3A_329 = arith.constant 0 : index
      %get3A_330 = arith.constant 0 : index
      %get3A_331 = vector.load %arg7[%get3A_329, %get3A_330] : memref<4x64xf32, #tpu.memory_space<vmem>>, vector<4x64xf32>
      %gt3A_332 = arith.constant 0.000000e+00 : f32
      %gt3A_333 = vector.broadcast %gt3A_332 : f32 to vector<4x64xf32>
      %gt3A_334 = arith.cmpf ogt, %get3A_331, %gt3A_333 : vector<4x64xf32>
      %div3A = arith.constant 1.000000e+00 : f32
      %div3A_335 = vector.broadcast %div3A : f32 to vector<4x64xf32>
      %div3A_336 = arith.divf %div3A_335, %get3A_331 : vector<4x64xf32>
      %jit3A_337 = arith.constant 0.000000e+00 : f32
      %broadcast_in_dim3A_338 = vector.broadcast %jit3A_337 : f32 to vector<4x64xf32>
      %select_n3A_339 = arith.select %gt3A_334, %div3A_336, %broadcast_in_dim3A_338 : vector<4x64xi1>, vector<4x64xf32>
      %get3A_340 = arith.constant 0 : index
      %get3A_341 = arith.constant 0 : index
      %get3A_342 = vector.load %arg5[%get3A_340, %get3A_341] : memref<64x4096xf32, #tpu.memory_space<vmem>>, vector<64x1024xf32>
      %slice3A_343 = vector.extract_strided_slice %select_n3A_339 {offsets = [0, 0], sizes = [1, 64], strides = [1, 1]} : vector<4x64xf32> to vector<1x64xf32>
      %squeeze3A_344 = vector.shape_cast %slice3A_343 : vector<1x64xf32> to vector<64xf32>
      %broadcast_in_dim3A_345 = vector.shape_cast %squeeze3A_344 : vector<64xf32> to vector<64x1xf32>
      %mul3A_346 = vector.broadcast %broadcast_in_dim3A_345 : vector<64x1xf32> to vector<64x1024xf32>
      %mul3A_347 = arith.mulf %get3A_342, %mul3A_346 : vector<64x1024xf32>
      %swap3A_348 = arith.constant 0 : index
      %swap3A_349 = arith.constant 0 : index
      %swap3A_350 = vector.load %arg5[%swap3A_348, %swap3A_349] : memref<64x4096xf32, #tpu.memory_space<vmem>>, vector<64x1024xf32>
      tpu.vector_store %arg5[%swap3A_348, %swap3A_349], %mul3A_347 {strides = array<i32>} : memref<64x4096xf32, #tpu.memory_space<vmem>>, vector<64x1024xf32>,
      %get3A_351 = arith.constant 0 : index
      %get3A_352 = arith.constant 1024 : index
      %get3A_353 = vector.load %arg5[%get3A_351, %get3A_352] : memref<64x4096xf32, #tpu.memory_space<vmem>>, vector<64x1024xf32>
      %slice3A_354 = vector.extract_strided_slice %select_n3A_339 {offsets = [1, 0], sizes = [1, 64], strides = [1, 1]} : vector<4x64xf32> to vector<1x64xf32>
      %squeeze3A_355 = vector.shape_cast %slice3A_354 : vector<1x64xf32> to vector<64xf32>
      %broadcast_in_dim3A_356 = vector.shape_cast %squeeze3A_355 : vector<64xf32> to vector<64x1xf32>
      %mul3A_357 = vector.broadcast %broadcast_in_dim3A_356 : vector<64x1xf32> to vector<64x1024xf32>
      %mul3A_358 = arith.mulf %get3A_353, %mul3A_357 : vector<64x1024xf32>
      %swap3A_359 = arith.constant 0 : index
      %swap3A_360 = arith.constant 1024 : index
      %swap3A_361 = vector.load %arg5[%swap3A_359, %swap3A_360] : memref<64x4096xf32, #tpu.memory_space<vmem>>, vector<64x1024xf32>
      tpu.vector_store %arg5[%swap3A_359, %swap3A_360], %mul3A_358 {strides = array<i32>} : memref<64x4096xf32, #tpu.memory_space<vmem>>, vector<64x1024xf32>,
      %get3A_362 = arith.constant 0 : index
      %get3A_363 = arith.constant 2048 : index
      %get3A_364 = vector.load %arg5[%get3A_362, %get3A_363] : memref<64x4096xf32, #tpu.memory_space<vmem>>, vector<64x1024xf32>
      %slice3A_365 = vector.extract_strided_slice %select_n3A_339 {offsets = [2, 0], sizes = [1, 64], strides = [1, 1]} : vector<4x64xf32> to vector<1x64xf32>
      %squeeze3A_366 = vector.shape_cast %slice3A_365 : vector<1x64xf32> to vector<64xf32>
      %broadcast_in_dim3A_367 = vector.shape_cast %squeeze3A_366 : vector<64xf32> to vector<64x1xf32>
      %mul3A_368 = vector.broadcast %broadcast_in_dim3A_367 : vector<64x1xf32> to vector<64x1024xf32>
      %mul3A_369 = arith.mulf %get3A_364, %mul3A_368 : vector<64x1024xf32>
      %swap3A_370 = arith.constant 0 : index
      %swap3A_371 = arith.constant 2048 : index
      %swap3A_372 = vector.load %arg5[%swap3A_370, %swap3A_371] : memref<64x4096xf32, #tpu.memory_space<vmem>>, vector<64x1024xf32>
      tpu.vector_store %arg5[%swap3A_370, %swap3A_371], %mul3A_369 {strides = array<i32>} : memref<64x4096xf32, #tpu.memory_space<vmem>>, vector<64x1024xf32>,
      %get3A_373 = arith.constant 0 : index
      %get3A_374 = arith.constant 3072 : index
      %get3A_375 = vector.load %arg5[%get3A_373, %get3A_374] : memref<64x4096xf32, #tpu.memory_space<vmem>>, vector<64x1024xf32>
      %slice3A_376 = vector.extract_strided_slice %select_n3A_339 {offsets = [3, 0], sizes = [1, 64], strides = [1, 1]} : vector<4x64xf32> to vector<1x64xf32>
      %squeeze3A_377 = vector.shape_cast %slice3A_376 : vector<1x64xf32> to vector<64xf32>
      %broadcast_in_dim3A_378 = vector.shape_cast %squeeze3A_377 : vector<64xf32> to vector<64x1xf32>
      %mul3A_379 = vector.broadcast %broadcast_in_dim3A_378 : vector<64x1xf32> to vector<64x1024xf32>
      %mul3A_380 = arith.mulf %get3A_375, %mul3A_379 : vector<64x1024xf32>
      %swap3A_381 = arith.constant 0 : index
      %swap3A_382 = arith.constant 3072 : index
      %swap3A_383 = vector.load %arg5[%swap3A_381, %swap3A_382] : memref<64x4096xf32, #tpu.memory_space<vmem>>, vector<64x1024xf32>
      tpu.vector_store %arg5[%swap3A_381, %swap3A_382], %mul3A_380 {strides = array<i32>} : memref<64x4096xf32, #tpu.memory_space<vmem>>, vector<64x1024xf32>,
    } else {
    }
    return
  }
  func.func @transform_0(%arg0: i32) -> (i32, i32) {
    %c0_i32 = arith.constant 0 : i32
    %c0_i32_0 = arith.constant 0 : i32
    return %arg0, %c0_i32 : i32, i32
  }
  func.func @transform_1(%arg0: i32) -> (i32, i32) {
    %c0_i32 = arith.constant 0 : i32
    %c0_i32_0 = arith.constant 0 : i32
    return %arg0, %c0_i32 : i32, i32
  }
  func.func @transform_2(%arg0: i32) -> (i32, i32) {
    %c0_i32 = arith.constant 0 : i32
    %c0_i32_0 = arith.constant 0 : i32
    return %c0_i32, %arg0 : i32, i32
  }
  func.func @transform_3(%arg0: i32) -> (i32, i32) {
    %c0_i32 = arith.constant 0 : i32
    %c0_i32_0 = arith.constant 0 : i32
    return %arg0, %c0_i32 : i32, i32
  }
  func.func @transform_4(%arg0: i32) -> (i32, i32) {
    %c0_i32 = arith.constant 0 : i32
    %c0_i32_0 = arith.constant 0 : i32
    %c0_i32_1 = arith.constant 0 : i32
    return %c0_i32, %c0_i32_0 : i32, i32
  }
}

</mosaic_0001>

<sc_bundles>
// kernel: sparse-core-data-format-call.cloned.1.call-start
scs
called_computation_lowered:
.L_overlay_start_0:
0x0: {  	s2 =	sld [smem:$0x3FD9]  }
0x1: {  	s3 =	sld [smem:$0x3FFE];
	_ =	sdelay $0x1  }
0x2: {  	s1 =	srdreg.scid  }
0x3: {  	s0 =	sand.u32 $0x1, s1  }
0x4: {  	s18 =	sshll.u32 s0, $0xA;
	s2 =	sadd.s32 s3, s2  }
0x5: {  	s2 =	sadd.s32 s2, s18  }
0x6: {  	[smem:$0x3FC5] =	sst s2  }
0x7: {  	_ = 	snop  }
0x8: {  	s2 =	sld [smem:$0x3FC9];
	(tm) =	ssettm $0x1  }
0x9: {  	s19 =	sld [smem:$0x3FFB];
	_ =	sdelay $0x3  }
0xa: {  	_ =	strace s19  }
0xb: {  	s3 =	sld [smem:$0x3FFC];
	_ =	sdelay $0x3  }
0xc: {  	_ =	strace s3  }
0xd: {  	s3 =	sld [smem:$0x3FFD];
	_ =	sdelay $0x3  }
0xe: {  	_ =	strace s3  }
0xf: {  	_ =	strace $0x8FFFFFFF  }
0x10: {  	s20 =	sld [smem:$0x3FDB];
	_ =	sdelay $0x1  }
0x11: {  	s4 =	simm.s32 $_scs_section_size  }
0x12: {  	s5 =	simm.s32 $_size__tile_overlayer_lowered;
	s6 =	simm.s32 $_tile_overlayer_lowered  }
0x13: {  	s23 =	simm.s32 $0x1BFF;
	s22 =	sshll.u32 s6, $0x1;
	s3 =	sadd.s32 s4, s20  }
0x14: {  	s7 =	simm.s32 $0x0;
	s21 =	sshll.u32 s5, $0x1;
	s5 =	sadd.s32 s22, s3  }
0x15: {  	[timem:s7], [sflag:s23] =	dma.local [hbm:s5], s21  }
0x16: {  	_ =	swait.ge [sflag:s23], s21  }
0x17: {  	s4 =	ssub.s32 $0x0, s21;
	[sflag:s23] =	ssyncset.done $0x0  }
0x18: {  	[sflag:s23] =	ssyncadd.s32 s4;
	_ =	sdelay $0x1  }
0x19: {  	s24 =	simm.s32 $0x1B8B  }
0x1a: {  	_ =	swait.ge [sflag:s24], $0x1  }
0x1b: {  	[sflag:s24] =	ssyncset.done $0x0  }
0x1c: {  	s26 =	simm.s32 $0x1B8E;
	s25 =	sld [smem:$0x3FFE];
	[sflag:s24] =	ssyncadd.s32 $0xFFFFFFFF  }
0x1d: {  	s27 =	simm.s32 $execute0_lowered;
	[smem:$0x3FD2] =	sst s26  }
0x1e: {  	s5 =	sshll.u32 s27, $0x1;
	_ =	strace $0x80000046;
	[dreg:$0x1] =	wrdreg $0xFFFFFFFF  }
0x1f: {  	s28 =	simm.s32 $_size_execute0_lowered;
	s3 =	sadd.s32 s3, s5;
	[dreg:$0x0] =	wrdreg $0x0  }
0x20: {  	s5 =	sshll.u32 s28, $0x1;
	[dreg:$0x2] =	wrdreg s3  }
0x21: {  	[dreg:$0x3] =	wrdreg s5  }
0x22: {  	[dreg:$0x4] =	wrdreg $0xC0  }
0x23: {  	_ =	task [dreg:s7], $0x5FFFF  }
0x24: {  	[dreg:$0x1] =	wrdreg $0xFFFFFFFF  }
0x25: {  	[dreg:$0x0] =	wrdreg $0x60  }
0x26: {  	[dreg:$0x2] =	wrdreg s2  }
0x27: {  	[dreg:$0x3] =	wrdreg s25  }
0x28: {  	[dreg:$0x4] =	wrdreg $0x9  }
0x29: {  	_ =	task.clear_ibuf [dreg:s7], $0x5FFFF;
	_ =	strace $0x90000046  }
0x2a: {  	s29 =	simm.s32 $0x9;
	_ =	strace $0x80000048  }
0x2b: {  	_ =	swait.ge [sflag:s29], $0x1  }
0x2c: {  	[sflag:s29] =	ssyncadd.s32 $0xFFFFFFFF  }
0x2d: {  	_ =	strace $0x90000048  }
0x2e: {  	_ =	sfence  }
0x2f: {  	s30 =	sld [smem:$0x0];
	_ =	sdelay $0x2  }
0x30: {  	s31 =	sshll.u32 s1, $0xD;
	s1 =	sshrl.u32 s1, $0x2  }
0x31: {  	s3 =	sand.u32 $0x4000, s31;
	s1 =	sadd.s32 s1, s30  }
0x32: {  	s0 =	sor.u32 s3, s0;
	s1 =	sshll.u32 s1, $0x11  }
0x33: {  	s0 =	sor.u32 s1, s0  }
0x34: {  	s0 =	sadd.s32 $0x8F2B, s0  }
0x35: {  	[sflag:s0] =	ssyncadd.remote.s32 $0x1  }
0x36: {  	_ =	sfence.sel $0xFFFF  }
0x37: {  	[dreg:$0x0] =	wrdreg $0xFFFFFFFF;
	(pc) =	sbr.abs _section_cstart, $3  }
0x38: {  	[dreg:$0x1] =	wrdreg $0xFFFFFFFF  }
0x39: {  	_ =	task.clear_ibuf [dreg:s7], $0x2FFFF;
	_ =	strace $0x9FFFFFFF  }
0x3a: {  	(tm) =	ssettm $0x7FFFFFFF  }
0x3b: {  	_ =	shalt  }
tec
execute0_lowered:
.L_overlay_start_1:
0x0: {  	(tag) =	ssettag $0x1  }
0x1: {  	s2 =	rddreg [dreg:$0x0]  }
0x2: {  	s1 =	rddreg [dreg:$0x1]  }
0x3: {  	s0 =	rddreg [dreg:$0x2];
	_ =	strace $0x80000047;
	s4 =	srdreg.scid  }
0x4: {  	s6 =	simm.s32 $0x2;
	s12 =	simm.s32 $0x0;
	p0 =	por $0x0, $0x0  }
0x5: {  	s13 =	simm.s32 $0x0;
	s15 =	simm.s32 $0x0;
	s14 =	simm.s32 $0x0  }
.Ltmp0:
0x6: {  	s8 =	simm.s32 $0x0;
	s9 =	simm.s32 $0x0;
	(pc) =	sbr.rel .LBB1_1-.Ltmp0, $4  }
0x7: {  	s10 =	simm.s32 $0x0;
	s3 =	sadd.s32 $0xA00, s1;
	s5 =	sshll.u32 s4, $0x4  }
0x8: {  	s1 =	stileid.u32;
	s4 =	simm.s32 $0x1;
	s5 =	sand.u32 $0x10, s5  }
0x9: {  	s7 =	simm.s32 $0x0;
	[sflag:s4] =	ssyncpa.u1 $0x0;
	s5 =	sor.u32 s1, s5  }
0xa: {  	[sflag:s6] =	ssyncpa.u1 $0x0;
	s6 =	simm.s32 $0x2000;
	s11 =	smov.u32 s5  }
.LBB1_7:
0xb: {  	s16 =	sadd.s32 $0x200, s8  }
0xc: {  	s12 =	sadd.s32 $0x4, s9;
	s17 =	smov.u32 s9;
	p2 =	sgt.s32 s16, $0x3FF  }
0xd: {  	s17 =	smov.u32 @p2 s12  }
0xe: {  	s18 =	smov.u32 s10;
	s12 =	sadd.s32 $0x8, s10;
	p3 =	sgt.s32 s17, $0x3  }
0xf: {  	s18 =	smov.u32 @p3 s12  }
0x10: {  	s19 =	smov.u32 s11;
	s12 =	sadd.s32 $0x20, s11;
	p4 =	sgt.s32 s18, $0x7  }
0x11: {  	p1 =	slt.u32 s7, $0x2;
	s19 =	smov.u32 @p4 s12  }
0x12: {  	s7 =	sadd.s32 $0x1, s7;
	s16 =	simm.s32 @p2 $0x0;
	p2 =	sgt.s32 s19, $0xFF  }
0x13: {  	s20 =	simm.s32 @!p1 $0x2;
	s19 =	smov.u32 @p2 s5;
	p2 =	sne.s32 s7, $0x12  }
.Ltmp1:
0x14: {  	s13 =	smov.u32 s9;
	_ =	swait.ge @!p1 [sflag:s20], $0x4000;
	(pc) =	sbr.rel @!p2 .LBB1_8-.Ltmp1, $4  }
0x15: {  	s15 =	smov.u32 s10;
	s14 =	smov.u32 s11;
	[sflag:s20] =	ssyncset.done @!p1 $0x0  }
0x16: {  	p0 =	por !p0, !p0;
	s17 =	simm.s32 @p3 $0x0;
	[sflag:s20] =	ssyncadd.s32 @!p1 $0xFFFFC000  }
0x17: {  	s9 =	smov.u32 s17;
	s18 =	simm.s32 @p4 $0x0;
	s12 =	smov.u32 s8  }
0x18: {  	s8 =	smov.u32 s16;
	s10 =	smov.u32 s18;
	s11 =	smov.u32 s19  }
.LBB1_1:
0x19: {  	p1 =	sgt.u32 s7, $0xF  }
0x1a: {  	s16 =	sxor.u32 @!p1 $0xFFFFFFFF, s7;
	s17 =	sshll.u32 @!p1 s9, $0x7  }
0x1b: {  	s18 =	sand.u32 @!p1 $0x78, s8;
	s19 =	sshll.u32 @!p1 s8, $0x2;
	s20 =	sshrl.u32 @!p1 s8, $0x1  }
0x1c: {  	s17 =	sand.u32 @!p1 $0x180, s17;
	s16 =	sshll.u32 @!p1 s16, $0xE;
	s19 =	sand.u32 @!p1 $0x200, s19  }
0x1d: {  	s20 =	sand.u32 @!p1 $0x180, s20;
	s17 =	sor.u32 @!p1 s17, s18;
	s18 =	sshll.u32 @!p1 s11, $0xC  }
0x1e: {  	s17 =	sor.u32 @!p1 s19, s17;
	s19 =	sshll.u32 @!p1 s10, $0x9;
	s18 =	sadd.s32 @!p1 s2, s18  }
0x1f: {  	s16 =	sand.u32 @!p1 $0x4000, s16;
	s18 =	sadd.s32 @!p1 s19, s18;
	s19 =	sand.u32 @!p1 $0x7, s8  }
0x20: {  	s17 =	sshrl.u32 @!p1 s17, $0x3;
	s18 =	sadd.s32 @!p1 s20, s18;
	s19 =	sshll.u32 @!p1 s19, $0x12  }
0x21: {  	s17 =	sadd.s32 @!p1 s17, s18;
	s18 =	sor.u32 @!p1 $0x800, s19;
	s19 =	simm.s32 @!p1 $0x1000  }
0x22: {  	[tilespmem:s16], [sflag:$0x1] =	stream.strided.gather @!p1 [hbm4b:s17+s18], $0x4000, s19, s18, $0x38;
	[tilespmem:$0x10000] =	vst v63  }
0x23: {  	p1 =	seq.s32 s7, $0x0  }
0x24: {  	p2 =	seq.s32 @!p1 s7, $0x11  }
0x25: {  	p1 =	por p1, p2  }
.Ltmp2:
0x26: {  	_ = 	snop;
	(pc) =	sbr.rel @p1 .LBB1_7-.Ltmp2, $1  }
0x27: {  	_ =	sdelay $0x3  }
0x28: {  	s16 =	simm.s32 $0x1  }
0x29: {  	_ =	swait.ge [sflag:s4], $0x4000;
	s31 =	sshll.u32 s7, $0xE;
	s16 =	simm.s32 @!p0 $0x0  }
0x2a: {  	s20 =	simm.s32 $0x0;
	s21 =	simm.s32 $0x0;
	s16 =	sshll.u32 s16, $0x10  }
0x2b: {  	s22 =	simm.s32 $0x0;
	[sflag:s4] =	ssyncset.done $0x0;
	s19 =	sshrl.u32 s16, $0x2  }
0x2c: {  	[sflag:s4] =	ssyncadd.s32 $0xFFFFC000;
	s16 =	sand.u32 $0x4000, s31;
	s17 =	sor.u32 $0x400, s19  }
0x2d: {  	s18 =	sor.u32 $0x8000, s19;
	s16 =	sor.u32 $0x8000, s16;
	s19 =	sadd.s32 $0x8C00, s19  }
.LBB1_3:
0x2e: {  	v0 =	vmov s18;
	v1 =	vld [tilespmem:s17+$0x270]  }
0x2f: {  	v2 =	vld [tilespmem:s17+$0xFFFFFC10]  }
0x30: {  	v3 =	vld [tilespmem:s17+$0xFFFFFC20]  }
0x31: {  	s23 =	sshll.u32 s21, $0x2;
	s24 =	sand.u32 $0x3, s20;
	v4 =	vld [tilespmem:s17+$0xFFFFFC30]  }
0x32: {  	v5 =	vld [tilespmem:s17+$0xFFFFFC40];
	s25 =	sand.u32 $0xFFFFF800, s23;
	s24 =	sshll.u32 s24, $0x9;
	s23 =	simm.s32 $0x0  }
0x33: {  	v6 =	vld [tilespmem:s17+$0xFFFFFC50];
	s24 =	sor.u32 s24, s25;
	[tilespmem:v0+s23+$0xC70 ss:$0x1] =	vst.idx.msk $0xffff, v1  }
0x34: {  	v7 =	vld [tilespmem:s17+$0x220];
	s24 =	sshrl.u32 s24, $0x2;
	[tilespmem:v0+s23+$0x10 ss:$0x1] =	vst.idx.msk $0xffff, v2  }
0x35: {  	v8 =	vld [tilespmem:s17+$0x230];
	s24 =	sadd.s32 s24, s19;
	[tilespmem:v0+s23+$0x20 ss:$0x1] =	vst.idx.msk $0xffff, v3  }
0x36: {  	v1 =	vmov s24;
	[tilespmem:v0+s23+$0x30 ss:$0x1] =	vst.idx.msk $0xffff, v4;
	v4 =	vld [tilespmem:s17+$0xFFFFFE00]  }
0x37: {  	[tilespmem:v0+s23+$0x40 ss:$0x1] =	vst.idx.msk $0xffff, v5;
	v5 =	vld [tilespmem:s17+$0xFFFFFE10]  }
0x38: {  	[tilespmem:v0+s23+$0x50 ss:$0x1] =	vst.idx.msk $0xffff, v6;
	v6 =	vld [tilespmem:s17+$0xFFFFFE20]  }
0x39: {  	v2 =	vld [tilespmem:s17+$0xFFFFFC60];
	[tilespmem:v0+s23+$0xC20 ss:$0x1] =	vst.idx.msk $0xffff, v7  }
0x3a: {  	v3 =	vld [tilespmem:s17+$0xFFFFFC70];
	[tilespmem:v0+s23+$0xC30 ss:$0x1] =	vst.idx.msk $0xffff, v8  }
0x3b: {  	[tilespmem:v1+s23+$0xFFFFF800 ss:$0x1] =	vst.idx.msk $0xffff, v4;
	v4 =	vld [tilespmem:s17+$0xFFFFFE50]  }
0x3c: {  	[tilespmem:v0+s23+$0x410 ss:$0x1] =	vst.idx.msk $0xffff, v5;
	v5 =	vld [tilespmem:s17+$0xFFFFFE60]  }
0x3d: {  	[tilespmem:v0+s23+$0x420 ss:$0x1] =	vst.idx.msk $0xffff, v6;
	v6 =	vld [tilespmem:s17+$0xFFFFFE70]  }
0x3e: {  	[tilespmem:v0+s23+$0x60 ss:$0x1] =	vst.idx.msk $0xffff, v2;
	v2 =	vld [tilespmem:s17+$0xFFFFFE30]  }
0x3f: {  	[tilespmem:v0+s23+$0x70 ss:$0x1] =	vst.idx.msk $0xffff, v3;
	v3 =	vld [tilespmem:s17+$0xFFFFFE40]  }
0x40: {  	[tilespmem:v0+s23+$0x450 ss:$0x1] =	vst.idx.msk $0xffff, v4;
	v4 =	vld [tilespmem:s17+$0x20]  }
0x41: {  	[tilespmem:v0+s23+$0x460 ss:$0x1] =	vst.idx.msk $0xffff, v5;
	v5 =	vld [tilespmem:s17+$0x30]  }
0x42: {  	[tilespmem:v0+s23+$0x470 ss:$0x1] =	vst.idx.msk $0xffff, v6;
	v6 =	vld [tilespmem:s17+$0x40]  }
0x43: {  	[tilespmem:v0+s23+$0x430 ss:$0x1] =	vst.idx.msk $0xffff, v2;
	v2 =	vld [tilespmem:s17+$0x0]  }
0x44: {  	[tilespmem:v0+s23+$0x440 ss:$0x1] =	vst.idx.msk $0xffff, v3;
	v3 =	vld [tilespmem:s17+$0x10]  }
0x45: {  	[tilespmem:v0+s23+$0x820 ss:$0x1] =	vst.idx.msk $0xffff, v4;
	v4 =	vld [tilespmem:s17+$0x70]  }
0x46: {  	[tilespmem:v0+s23+$0x830 ss:$0x1] =	vst.idx.msk $0xffff, v5;
	v5 =	vld [tilespmem:s17+$0x200]  }
0x47: {  	[tilespmem:v0+s23+$0x840 ss:$0x1] =	vst.idx.msk $0xffff, v6;
	v6 =	vld [tilespmem:s17+$0x210]  }
0x48: {  	[tilespmem:v1+s23+$0xFFFFFC00 ss:$0x1] =	vst.idx.msk $0xffff, v2;
	v2 =	vld [tilespmem:s17+$0x50]  }
0x49: {  	[tilespmem:v0+s23+$0x810 ss:$0x1] =	vst.idx.msk $0xffff, v3;
	v3 =	vld [tilespmem:s17+$0x60]  }
0x4a: {  	[tilespmem:v0+s23+$0x870 ss:$0x1] =	vst.idx.msk $0xffff, v4;
	v4 =	vld [tilespmem:s17+$0x240]  }
0x4b: {  	[tilespmem:v1+s23+$0x0 ss:$0x1] =	vst.idx.msk $0xffff, v5;
	v5 =	vld [tilespmem:s17+$0x250]  }
0x4c: {  	[tilespmem:v0+s23+$0xC10 ss:$0x1] =	vst.idx.msk $0xffff, v6;
	v6 =	vld [tilespmem:s17+$0x260]  }
0x4d: {  	s24 =	sadd.s32 $0x80, s17;
	[tilespmem:v0+s23+$0x850 ss:$0x1] =	vst.idx.msk $0xffff, v2;
	v2 =	vld [tilespmem:s17+$0xFFFFFC00]  }
0x4e: {  	s26 =	simm.s32 $0x8000;
	s25 =	simm.s32 $0x4000;
	[tilespmem:v0+s23+$0x860 ss:$0x1] =	vst.idx.msk $0xffff, v3;
	v3 =	vld [tilespmem:s24+$0x270]  }
.LBB1_4:
0x4f: {  	p1 =	sne.s32 s26, $0xC000;
	v7 =	vld [tilespmem:s24+$0xFFFFFC10];
	[tilespmem:v0+s23+$0xC40 ss:$0x1] =	vst.idx.msk $0xffff, v4  }
0x50: {  	v4 =	vld [tilespmem:s24+$0xFFFFFC20];
	[tilespmem:v0+s23+$0xC50 ss:$0x1] =	vst.idx.msk $0xffff, v5  }
0x51: {  	v5 =	vld [tilespmem:s24+$0xFFFFFC30];
	[tilespmem:v0+s23+$0xC60 ss:$0x1] =	vst.idx.msk $0xffff, v6  }
0x52: {  	v6 =	vld [tilespmem:s24+$0xFFFFFC40];
	[tilespmem:v0+s23+$0x0 ss:$0x1] =	vst.idx.msk $0xffff, v2;
	s23 =	sshra.s32 s25, $0x2;
	s25 =	smov.u32 s26  }
0x53: {  	v2 =	vld [tilespmem:s24+$0xFFFFFC50];
	[tilespmem:v0+s23+$0xC70 ss:$0x1] =	vst.idx.msk $0xffff, v3  }
0x54: {  	[tilespmem:v0+s23+$0x10 ss:$0x1] =	vst.idx.msk $0xffff, v7;
	v3 =	vld [tilespmem:s24+$0xFFFFFC60]  }
0x55: {  	[tilespmem:v0+s23+$0x20 ss:$0x1] =	vst.idx.msk $0xffff, v4;
	v4 =	vld [tilespmem:s24+$0xFFFFFC70]  }
0x56: {  	[tilespmem:v0+s23+$0x30 ss:$0x1] =	vst.idx.msk $0xffff, v5;
	v5 =	vld [tilespmem:s24+$0xFFFFFE00]  }
0x57: {  	[tilespmem:v0+s23+$0x40 ss:$0x1] =	vst.idx.msk $0xffff, v6;
	v6 =	vld [tilespmem:s24+$0xFFFFFE10]  }
0x58: {  	[tilespmem:v0+s23+$0x50 ss:$0x1] =	vst.idx.msk $0xffff, v2;
	v2 =	vld [tilespmem:s24+$0xFFFFFE20]  }
0x59: {  	[tilespmem:v0+s23+$0x60 ss:$0x1] =	vst.idx.msk $0xffff, v3;
	v3 =	vld [tilespmem:s24+$0xFFFFFE30]  }
0x5a: {  	[tilespmem:v0+s23+$0x70 ss:$0x1] =	vst.idx.msk $0xffff, v4;
	v4 =	vld [tilespmem:s24+$0xFFFFFE40]  }
0x5b: {  	[tilespmem:v1+s23+$0xFFFFF800 ss:$0x1] =	vst.idx.msk $0xffff, v5;
	v5 =	vld [tilespmem:s24+$0xFFFFFE50]  }
0x5c: {  	[tilespmem:v0+s23+$0x410 ss:$0x1] =	vst.idx.msk $0xffff, v6;
	v6 =	vld [tilespmem:s24+$0xFFFFFE60]  }
0x5d: {  	[tilespmem:v0+s23+$0x420 ss:$0x1] =	vst.idx.msk $0xffff, v2;
	v2 =	vld [tilespmem:s24+$0xFFFFFE70]  }
0x5e: {  	[tilespmem:v0+s23+$0x430 ss:$0x1] =	vst.idx.msk $0xffff, v3;
	v3 =	vld [tilespmem:s24+$0x0]  }
0x5f: {  	[tilespmem:v0+s23+$0x440 ss:$0x1] =	vst.idx.msk $0xffff, v4;
	v4 =	vld [tilespmem:s24+$0x10]  }
0x60: {  	[tilespmem:v0+s23+$0x450 ss:$0x1] =	vst.idx.msk $0xffff, v5;
	v5 =	vld [tilespmem:s24+$0x20]  }
0x61: {  	[tilespmem:v0+s23+$0x460 ss:$0x1] =	vst.idx.msk $0xffff, v6;
	v6 =	vld [tilespmem:s24+$0x30]  }
0x62: {  	[tilespmem:v0+s23+$0x470 ss:$0x1] =	vst.idx.msk $0xffff, v2;
	v2 =	vld [tilespmem:s24+$0x40]  }
0x63: {  	[tilespmem:v1+s23+$0xFFFFFC00 ss:$0x1] =	vst.idx.msk $0xffff, v3;
	v3 =	vld [tilespmem:s24+$0x50]  }
0x64: {  	[tilespmem:v0+s23+$0x810 ss:$0x1] =	vst.idx.msk $0xffff, v4;
	v4 =	vld [tilespmem:s24+$0x60]  }
0x65: {  	[tilespmem:v0+s23+$0x820 ss:$0x1] =	vst.idx.msk $0xffff, v5;
	v5 =	vld [tilespmem:s24+$0x70]  }
0x66: {  	[tilespmem:v0+s23+$0x830 ss:$0x1] =	vst.idx.msk $0xffff, v6;
	v6 =	vld [tilespmem:s24+$0x200]  }
0x67: {  	[tilespmem:v0+s23+$0x840 ss:$0x1] =	vst.idx.msk $0xffff, v2;
	v2 =	vld [tilespmem:s24+$0x210]  }
0x68: {  	[tilespmem:v0+s23+$0x850 ss:$0x1] =	vst.idx.msk $0xffff, v3;
	v3 =	vld [tilespmem:s24+$0x220]  }
0x69: {  	[tilespmem:v0+s23+$0x860 ss:$0x1] =	vst.idx.msk $0xffff, v4;
	v7 =	vld [tilespmem:s24+$0x230]  }
.Ltmp3:
0x6a: {  	[tilespmem:v0+s23+$0x870 ss:$0x1] =	vst.idx.msk $0xffff, v5;
	v4 =	vld [tilespmem:s24+$0x240];
	(pc) =	sbr.rel @p1 .LBB1_4-.Ltmp3, $4  }
0x6b: {  	[tilespmem:v1+s23+$0x0 ss:$0x1] =	vst.idx.msk $0xffff, v6;
	v5 =	vld [tilespmem:s24+$0x250]  }
0x6c: {  	[tilespmem:v0+s23+$0xC10 ss:$0x1] =	vst.idx.msk $0xffff, v2;
	v6 =	vld [tilespmem:s24+$0x260]  }
0x6d: {  	v2 =	vld [tilespmem:s24+$0xFFFFFC00];
	[tilespmem:v0+s23+$0xC20 ss:$0x1] =	vst.idx.msk $0xffff, v3;
	s24 =	sadd.s32 $0x80, s24  }
0x6e: {  	s26 =	sadd.s32 $0x4000, s26;
	v3 =	vld [tilespmem:s24+$0x270];
	[tilespmem:v0+s23+$0xC30 ss:$0x1] =	vst.idx.msk $0xffff, v7  }
0x6f: {  	_ =	sdelay $0x3  }
0x70: {  	v7 =	vld [tilespmem:s24+$0xFFFFFC10];
	[tilespmem:v0+s23+$0xC40 ss:$0x1] =	vst.idx.msk $0xffff, v4  }
0x71: {  	v34 =	vld [tilespmem:s24+$0xFFFFFC20];
	[tilespmem:v0+s23+$0xC50 ss:$0x1] =	vst.idx.msk $0xffff, v5  }
0x72: {  	v35 =	vld [tilespmem:s24+$0xFFFFFC30];
	[tilespmem:v0+s23+$0xC60 ss:$0x1] =	vst.idx.msk $0xffff, v6  }
0x73: {  	s25 =	sshra.s32 s25, $0x2;
	v36 =	vld [tilespmem:s24+$0xFFFFFC40];
	[tilespmem:v0+s23+$0x0 ss:$0x1] =	vst.idx.msk $0xffff, v2  }
0x74: {  	v37 =	vld [tilespmem:s24+$0xFFFFFC50];
	[tilespmem:v0+s25+$0xC70 ss:$0x1] =	vst.idx.msk $0xffff, v3  }
0x75: {  	v38 =	vld [tilespmem:s24+$0xFFFFFC60];
	[tilespmem:v0+s25+$0x10 ss:$0x1] =	vst.idx.msk $0xffff, v7  }
0x76: {  	v39 =	vld [tilespmem:s24+$0xFFFFFC70];
	[tilespmem:v0+s25+$0x20 ss:$0x1] =	vst.idx.msk $0xffff, v34  }
0x77: {  	v40 =	vld [tilespmem:s24+$0xFFFFFE00];
	[tilespmem:v0+s25+$0x30 ss:$0x1] =	vst.idx.msk $0xffff, v35  }
0x78: {  	v41 =	vld [tilespmem:s24+$0xFFFFFE10];
	[tilespmem:v0+s25+$0x40 ss:$0x1] =	vst.idx.msk $0xffff, v36  }
0x79: {  	v42 =	vld [tilespmem:s24+$0xFFFFFE20];
	[tilespmem:v0+s25+$0x50 ss:$0x1] =	vst.idx.msk $0xffff, v37  }
0x7a: {  	v43 =	vld [tilespmem:s24+$0xFFFFFE30];
	[tilespmem:v0+s25+$0x60 ss:$0x1] =	vst.idx.msk $0xffff, v38  }
0x7b: {  	v44 =	vld [tilespmem:s24+$0xFFFFFE40];
	[tilespmem:v0+s25+$0x70 ss:$0x1] =	vst.idx.msk $0xffff, v39  }
0x7c: {  	v45 =	vld [tilespmem:s24+$0xFFFFFE50];
	[tilespmem:v1+s25+$0xFFFFF800 ss:$0x1] =	vst.idx.msk $0xffff, v40  }
0x7d: {  	v46 =	vld [tilespmem:s24+$0xFFFFFE60];
	[tilespmem:v0+s25+$0x410 ss:$0x1] =	vst.idx.msk $0xffff, v41  }
0x7e: {  	v47 =	vld [tilespmem:s24+$0xFFFFFE70];
	[tilespmem:v0+s25+$0x420 ss:$0x1] =	vst.idx.msk $0xffff, v42  }
0x7f: {  	v48 =	vld [tilespmem:s24+$0x0];
	[tilespmem:v0+s25+$0x430 ss:$0x1] =	vst.idx.msk $0xffff, v43  }
0x80: {  	v49 =	vld [tilespmem:s24+$0x10];
	[tilespmem:v0+s25+$0x440 ss:$0x1] =	vst.idx.msk $0xffff, v44  }
0x81: {  	v50 =	vld [tilespmem:s24+$0x20];
	[tilespmem:v0+s25+$0x450 ss:$0x1] =	vst.idx.msk $0xffff, v45  }
0x82: {  	v51 =	vld [tilespmem:s24+$0x30];
	[tilespmem:v0+s25+$0x460 ss:$0x1] =	vst.idx.msk $0xffff, v46  }
0x83: {  	v52 =	vld [tilespmem:s24+$0x40];
	[tilespmem:v0+s25+$0x470 ss:$0x1] =	vst.idx.msk $0xffff, v47  }
0x84: {  	v53 =	vld [tilespmem:s24+$0x50];
	[tilespmem:v1+s25+$0xFFFFFC00 ss:$0x1] =	vst.idx.msk $0xffff, v48  }
0x85: {  	v54 =	vld [tilespmem:s24+$0x60];
	[tilespmem:v0+s25+$0x810 ss:$0x1] =	vst.idx.msk $0xffff, v49  }
0x86: {  	v55 =	vld [tilespmem:s24+$0x70];
	[tilespmem:v0+s25+$0x820 ss:$0x1] =	vst.idx.msk $0xffff, v50  }
0x87: {  	v56 =	vld [tilespmem:s24+$0x200];
	[tilespmem:v0+s25+$0x830 ss:$0x1] =	vst.idx.msk $0xffff, v51  }
0x88: {  	v57 =	vld [tilespmem:s24+$0x210];
	[tilespmem:v0+s25+$0x840 ss:$0x1] =	vst.idx.msk $0xffff, v52  }
0x89: {  	v58 =	vld [tilespmem:s24+$0x220];
	[tilespmem:v0+s25+$0x850 ss:$0x1] =	vst.idx.msk $0xffff, v53  }
0x8a: {  	v59 =	vld [tilespmem:s24+$0x230];
	[tilespmem:v0+s25+$0x860 ss:$0x1] =	vst.idx.msk $0xffff, v54  }
0x8b: {  	v60 =	vld [tilespmem:s24+$0x240];
	[tilespmem:v0+s25+$0x870 ss:$0x1] =	vst.idx.msk $0xffff, v55  }
0x8c: {  	v61 =	vld [tilespmem:s24+$0x250];
	[tilespmem:v1+s25+$0x0 ss:$0x1] =	vst.idx.msk $0xffff, v56  }
0x8d: {  	v62 =	vld [tilespmem:s24+$0x260];
	s22 =	sadd.s32 $0x1, s22;
	[tilespmem:v0+s25+$0xC10 ss:$0x1] =	vst.idx.msk $0xffff, v57  }
0x8e: {  	v63 =	vld [tilespmem:s24+$0xFFFFFC00];
	p1 =	sne.s32 s22, $0x8;
	[tilespmem:v0+s25+$0xC20 ss:$0x1] =	vst.idx.msk $0xffff, v58  }
.Ltmp4:
0x8f: {  	[tilespmem:v0+s25+$0xC30 ss:$0x1] =	vst.idx.msk $0xffff, v59;
	(pc) =	sbr.rel @p1 .LBB1_3-.Ltmp4, $4  }
0x90: {  	[tilespmem:v0+s25+$0xC40 ss:$0x1] =	vst.idx.msk $0xffff, v60  }
0x91: {  	[tilespmem:v0+s25+$0xC50 ss:$0x1] =	vst.idx.msk $0xffff, v61  }
0x92: {  	s17 =	sadd.s32 $0x800, s17;
	[tilespmem:v0+s25+$0xC60 ss:$0x1] =	vst.idx.msk $0xffff, v62  }
0x93: {  	s21 =	sadd.s32 $0x80, s21;
	s20 =	sadd.s32 $0x1, s20;
	s18 =	sadd.s32 $0x80, s18;
	[tilespmem:v0+s25+$0x0 ss:$0x1] =	vst.idx.msk $0xffff, v63  }
0x94: {  	s15 =	sshll.u32 s15, $0x7;
	s17 =	sand.u32 $0x78, s12  }
0x95: {  	s14 =	sshll.u32 s14, $0xC;
	s13 =	sshll.u32 s13, $0xA;
	s29 =	sand.u32 $0x380, s12  }
.Ltmp5:
0x96: {  	s15 =	sand.u32 $0x380, s15;
	s14 =	sadd.s32 s3, s14;
	(pc) =	sbr.rel .LBB1_7-.Ltmp5, $4  }
0x97: {  	s30 =	sand.u32 $0x7, s12;
	s15 =	sor.u32 s15, s17;
	s13 =	sadd.s32 s13, s14  }
0x98: {  	s12 =	sshll.u32 s30, $0x12;
	s31 =	sshrl.u32 s15, $0x3;
	s13 =	sadd.s32 s29, s13  }
0x99: {  	s12 =	sor.u32 $0x1000, s12;
	s13 =	sadd.s32 s31, s13  }
0x9a: {  	[hbm4b:s13+s12] =	stream.strided.scatter [tilespmem:s16], [sflag:$0x2], $0x4000, s6, s12, $0x38;
	[tilespmem:$0x10000] =	vst v63  }
.LBB1_8:
0x9b: {  	_ =	sfence.sel $0x180000  }
0x9c: {  	s2 =	simm.s32 $0x1;
	[bflag:$0x0] =	sbarrier.arrive $0xFFFF  }
0x9d: {  	s31 =	simm.s32 $0x2;
	[sflag:s2] =	ssyncpa.u1 $0x1  }
0x9e: {  	[sflag:s31] =	ssyncpa.u1 $0x1  }
0x9f: {  	p0 =	sne.s32 s1, $0x0;
	_ =	strace $0x90000047  }
0xa0: {  	s0 =	sadd.s32 @!p0 $0x100000, s0;
	[bflag:$0x2] =	sbarrier.arrive $0xFFFF  }
0xa1: {  	[sflag:s0] =	ssyncadd.tile.s32 @!p0 $0x1;
	_ =	shalt  }
.Lfunc_end1:
_tile_overlayer_lowered:
.L_overlay_start_2:
0xa2: {  	(tag) =	ssettag $0x2  }
0xa3: {  	s0 =	rddreg [dreg:$0x0];
	s2 =	stileid.u32  }
0xa4: {  	s1 =	rddreg [dreg:$0x1];
	p0 =	sne.s32 s2, $0x0  }
0xa5: {  	s3 =	rddreg [dreg:$0x2];
	[bflag:$0x3] =	sbarrier.arrive $0xFFFF;
	s2 =	simm.s32 @!p0 $0x1C01  }
0xa6: {  	[timem:s3], [sflag:s2] =	dma.local @!p0 [hbm:s0], s1  }
0xa7: {  	s0 =	simm.s32 @!p0 $0x1  }
0xa8: {  	_ =	swait.ge @!p0 [sflag:s0], s1  }
0xa9: {  	s1 =	ssub.s32 @!p0 $0x0, s1;
	[sflag:s0] =	ssyncset.done @!p0 $0x0  }
0xaa: {  	[sflag:s0] =	ssyncadd.s32 @!p0 s1  }
0xab: {  	[bflag:$0x3] =	sbarrier.arrive $0xFFFF  }
0xac: {  	_ =	shalt  }

</sc_bundles>
